<compile_context>
chip_gen: v7x
topology: tpu7x:2x2x1
jax: 0.10.2.dev20260603
libtpu: 0.0.44.dev20260713+nightly
codegen_flags: <defaults>
</compile_context>

<pallas_src>
import functools

import jax
import jax.numpy as jnp
from jax import lax
from jax.experimental import pallas as pl
from jax.experimental.pallas import tpu as pltpu
from jax.experimental.pallas import tpu_sc as plsc

VOCAB = 457
EMB = 64
GATHER_UNIT = 128


@functools.cache
def _build(batch: int, seq: int):
    info = plsc.get_sparse_core_info()
    nw = info.num_cores * info.num_subcores
    rows_per_w = batch // nw
    assert rows_per_w * nw == batch
    splits = []
    off = 0
    while off < seq:
        n = min(GATHER_UNIT, seq - off)
        splits.append((off, n))
        off += n

    mesh = plsc.VectorSubcoreMesh(core_axis_name="c", subcore_axis_name="s")
    out_t = jax.ShapeDtypeStruct((batch, seq, EMB), jnp.float32)

    @functools.partial(
        pl.kernel,
        mesh=mesh,
        out_type=[out_t, out_t],
        scratch_types=[
            pltpu.VMEM((2, seq), jnp.int32),
            pltpu.VMEM((2, seq, EMB), jnp.float32),
            pltpu.VMEM_SHARED((VOCAB, EMB), jnp.float32),
            pltpu.VMEM_SHARED((VOCAB, EMB), jnp.float32),
            pltpu.SemaphoreType.DMA,
            pltpu.SemaphoreType.DMA,
            pltpu.SemaphoreType.DMA,
            pltpu.SemaphoreType.DMA,
            pltpu.SemaphoreType.DMA,
            pltpu.SemaphoreType.DMA,
        ],
        compiler_params=pltpu.CompilerParams(use_tc_tiling_on_sc=False),
    )
    def k(w_seq, w_exp, seq_idx, exp_idx, o_seq, o_exp, idx_v, rows_v,
          w_seq_s, w_exp_s, si0, si1, sg0, sg1, so0, so1):
        wid = lax.axis_index("s") * info.num_cores + lax.axis_index("c")
        sem_i, sem_g, sem_o = [si0, si1], [sg0, sg1], [so0, so1]

        @pl.when(lax.axis_index("s") == 0)
        def _():
            pltpu.sync_copy(w_seq, w_seq_s)
            pltpu.sync_copy(w_exp, w_exp_s)
        plsc.subcore_barrier()

        def start_idx(idx_hbm, b, row):
            pltpu.async_copy(idx_hbm.at[row], idx_v.at[b], sem_i[b])

        def gather_cps(w_s, b):
            return [
                pltpu.make_async_copy(
                    w_s.at[idx_v.at[b].at[pl.ds(off, n)]],
                    rows_v.at[b].at[pl.ds(off, n)],
                    sem_g[b])
                for off, n in splits
            ]

        def wait_store(out_hbm, b):
            pltpu.make_async_copy(rows_v.at[b], out_hbm.at[0], sem_o[b]).wait()

        def do_table(idx_hbm, w_s, out_hbm):
            base = wid * rows_per_w

            for b in range(2):
                start_idx(idx_hbm, b, base + b)

            def pair_body(p, carry):
                for b in range(2):
                    j = 2 * p + b
                    pltpu.make_async_copy(
                        idx_hbm.at[0], idx_v.at[b], sem_i[b]).wait()

                    @pl.when(j >= 2)
                    def _():
                        wait_store(out_hbm, b)
                    for cp in gather_cps(w_s, b):
                        cp.start()

                for b in range(2):
                    j = 2 * p + b
                    for cp in gather_cps(w_s, b):
                        cp.wait()
                    pltpu.async_copy(rows_v.at[b], out_hbm.at[base + j], sem_o[b])

                    @pl.when(j + 2 < rows_per_w)
                    def _():
                        start_idx(idx_hbm, b, base + j + 2)
                return carry

            lax.fori_loop(0, rows_per_w // 2, pair_body, 0)

            for b in range(2):
                wait_store(out_hbm, b)

        do_table(seq_idx, w_seq_s, o_seq)
        do_table(exp_idx, w_exp_s, o_exp)

    return k


def kernel(seqs, exps, W_seq, W_exp):
    b, s = seqs.shape
    o_seq, o_exp = _build(b, s)(
        W_seq, W_exp, seqs.astype(jnp.int32), exps.astype(jnp.int32))
    return (o_seq, o_exp)

# --- scband reference (transcript-rebuilt; emitter-appended) ---
"""Pipeline reference for scband-sequence-and-experiment-inputs-13984413515997 (READ-ONLY COPY).

The authoritative reference and input builder live on the scoring server;
editing this copy changes nothing except your own understanding.
"""

import jax, jax.numpy as jnp
import numpy as np

VOCAB = 457
EMB_DIM = 64
BATCH = 1024
SEQ = 457

def _glorot(key, shape):
    fan_in, fan_out = shape[0], shape[1]
    limit = np.sqrt(6.0 / (fan_in + fan_out))
    return jax.random.uniform(key, shape, minval=-limit, maxval=limit, dtype=jnp.float32)

def setup_inputs(seed: int = 0) -> dict:
    key = jax.random.key(seed)
    k1, k2, k3, k4 = jax.random.split(key, 4)
    seqs = jax.random.randint(k1, (BATCH, SEQ), 0, VOCAB, dtype=jnp.int64)
    exps = jax.random.randint(k2, (BATCH, SEQ), 0, VOCAB, dtype=jnp.int64)
    W_seq = _glorot(k3, (VOCAB, EMB_DIM))
    W_exp = _glorot(k4, (VOCAB, EMB_DIM))
    return {"seqs": seqs, "exps": exps, "W_seq": W_seq, "W_exp": W_exp}

def reference(seqs, exps, W_seq, W_exp):
    # InputLayer is identity; Embedding with mask_zero=True does a plain gather
    # (the mask only propagates to downstream layers, it does not zero outputs).
    seq_embs = jnp.take(W_seq, seqs, axis=0)
    exp_embs = jnp.take(W_exp, exps, axis=0)
    return (seq_embs, exp_embs)

if __name__ == "__main__":
    import jax
    _d = setup_inputs()
    print(jax.jit(kernel)(*tuple(_d.values())))

</pallas_src>

<mosaic_0001>
#map = affine_map<(d0, d1) -> (0, 0)>
#map1 = affine_map<(d0, d1) -> (0, 0, 0)>
module attributes {stable_mosaic.version = 14 : i64} {
  func.func @k(%arg0: i32, %arg1: i32, %arg2: memref<457x64xf32, #tpu.memory_space<hbm>>, %arg3: memref<457x64xf32, #tpu.memory_space<hbm>>, %arg4: memref<1024x457xi32, #tpu.memory_space<hbm>>, %arg5: memref<1024x457xi32, #tpu.memory_space<hbm>>, %arg6: memref<1024x457x64xf32, #tpu.memory_space<hbm>>, %arg7: memref<1024x457x64xf32, #tpu.memory_space<hbm>>, %arg8: memref<2x457xi32, #tpu.memory_space<vmem>>, %arg9: memref<2x457x64xf32, #tpu.memory_space<vmem>>, %arg10: memref<457x64xf32, #tpu.memory_space<vmem_shared>>, %arg11: memref<457x64xf32, #tpu.memory_space<vmem_shared>>, %arg12: memref<!tpu.dma_semaphore, #tpu.memory_space<semaphore_mem>>, %arg13: memref<!tpu.dma_semaphore, #tpu.memory_space<semaphore_mem>>, %arg14: memref<!tpu.dma_semaphore, #tpu.memory_space<semaphore_mem>>, %arg15: memref<!tpu.dma_semaphore, #tpu.memory_space<semaphore_mem>>, %arg16: memref<!tpu.dma_semaphore, #tpu.memory_space<semaphore_mem>>, %arg17: memref<!tpu.dma_semaphore, #tpu.memory_space<semaphore_mem>>) attributes {dimension_semantics = [#tpu.dimension_semantics<core_parallel>, #tpu.dimension_semantics<subcore_parallel>], iteration_bounds = array<i64: 2, 16>, scalar_prefetch = 0 : i64, scratch_operands = 10 : i64, tpu.core_type = #tpu.core_type<sc_vector_subcore>, window_params = [{transform_indices = #map}, {transform_indices = #map}, {transform_indices = #map}, {transform_indices = #map}, {transform_indices = #map1}, {transform_indices = #map1}]} {
    %mul3A = arith.constant 2 : i32
    %mul3A_0 = arith.muli %arg1, %mul3A : i32
    %add3A = arith.addi %mul3A_0, %arg0 : i32
    %eq3A = arith.constant 0 : i32
    %eq3A_1 = arith.cmpi eq, %arg1, %eq3A : i32
    %convert_element_type3A = arith.extui %eq3A_1 : i1 to i32
    %cond3A = arith.constant 0 : i32
    %cond3A_2 = arith.cmpi ne, %convert_element_type3A, %cond3A : i32
    scf.if %cond3A_2 {
      "tpu.region"() ({
        %run_scoped3A = tpu.sem_alloc : memref<!tpu.dma_semaphore, #tpu.memory_space<semaphore_mem>>
        tpu.enqueue_dma source(%arg2 : memref<457x64xf32, #tpu.memory_space<hbm>>) target(%arg10 : memref<457x64xf32, #tpu.memory_space<vmem_shared>>) target_semaphore(%run_scoped3A : memref<!tpu.dma_semaphore, #tpu.memory_space<semaphore_mem>>)
        tpu.wait_dma2 semaphore(%run_scoped3A : memref<!tpu.dma_semaphore, #tpu.memory_space<semaphore_mem>>) src(%arg2 : memref<457x64xf32, #tpu.memory_space<hbm>>) dst(%arg10 : memref<457x64xf32, #tpu.memory_space<vmem_shared>>)
        tpu.yield
      }) : () -> ()
      "tpu.region"() ({
        %run_scoped3A = tpu.sem_alloc : memref<!tpu.dma_semaphore, #tpu.memory_space<semaphore_mem>>
        tpu.enqueue_dma source(%arg3 : memref<457x64xf32, #tpu.memory_space<hbm>>) target(%arg11 : memref<457x64xf32, #tpu.memory_space<vmem_shared>>) target_semaphore(%run_scoped3A : memref<!tpu.dma_semaphore, #tpu.memory_space<semaphore_mem>>)
        tpu.wait_dma2 semaphore(%run_scoped3A : memref<!tpu.dma_semaphore, #tpu.memory_space<semaphore_mem>>) src(%arg3 : memref<457x64xf32, #tpu.memory_space<hbm>>) dst(%arg11 : memref<457x64xf32, #tpu.memory_space<vmem_shared>>)
        tpu.yield
      }) : () -> ()
    } else {
    }
    %barrier3A = arith.constant 0 : index
    tpu.barrier barrier_id(%barrier3A)
    %mul3A_3 = arith.constant 32 : i32
    %mul3A_4 = arith.muli %add3A, %mul3A_3 : i32
    %add3A_5 = arith.constant 0 : i32
    %add3A_6 = arith.addi %mul3A_4, %add3A_5 : i32
    %dma_start3A = arith.constant 0 : i32
    %dma_start3A_7 = arith.constant 0 : i32
    %dma_start3A_8 = tpu.memref_slice %arg8[%dma_start3A, %dma_start3A_7] : memref<2x457xi32, #tpu.memory_space<vmem>> -> memref<1x457xi32, #tpu.memory_space<vmem>>
    %dma_start3A_9 = tpu.memref_squeeze %dma_start3A_8 : memref<1x457xi32, #tpu.memory_space<vmem>> -> memref<457xi32, #tpu.memory_space<vmem>>
    %dma_start3A_10 = arith.constant 0 : i32
    %dma_start3A_11 = tpu.memref_slice %arg4[%add3A_6, %dma_start3A_10] : memref<1024x457xi32, #tpu.memory_space<hbm>> -> memref<1x457xi32, #tpu.memory_space<hbm>>
    %dma_start3A_12 = tpu.memref_squeeze %dma_start3A_11 : memref<1x457xi32, #tpu.memory_space<hbm>> -> memref<457xi32, #tpu.memory_space<hbm>>
    %dma_start3A_13 = arith.constant 0 : i32
    %dma_start3A_14 = tpu.memref_slice %arg8[%dma_start3A, %dma_start3A_13] : memref<2x457xi32, #tpu.memory_space<vmem>> -> memref<1x457xi32, #tpu.memory_space<vmem>>
    %dma_start3A_15 = tpu.memref_squeeze %dma_start3A_14 : memref<1x457xi32, #tpu.memory_space<vmem>> -> memref<457xi32, #tpu.memory_space<vmem>>
    %dma_start3A_16 = arith.constant 0 : i32
    %dma_start3A_17 = tpu.memref_slice %arg4[%add3A_6, %dma_start3A_16] : memref<1024x457xi32, #tpu.memory_space<hbm>> -> memref<1x457xi32, #tpu.memory_space<hbm>>
    %dma_start3A_18 = tpu.memref_squeeze %dma_start3A_17 : memref<1x457xi32, #tpu.memory_space<hbm>> -> memref<457xi32, #tpu.memory_space<hbm>>
    tpu.enqueue_dma source(%dma_start3A_18 : memref<457xi32, #tpu.memory_space<hbm>>) target(%dma_start3A_15 : memref<457xi32, #tpu.memory_space<vmem>>) target_semaphore(%arg12 : memref<!tpu.dma_semaphore, #tpu.memory_space<semaphore_mem>>)
    %add3A_19 = arith.constant 1 : i32
    %add3A_20 = arith.addi %mul3A_4, %add3A_19 : i32
    %dma_start3A_21 = arith.constant 1 : i32
    %dma_start3A_22 = arith.constant 0 : i32
    %dma_start3A_23 = tpu.memref_slice %arg8[%dma_start3A_21, %dma_start3A_22] : memref<2x457xi32, #tpu.memory_space<vmem>> -> memref<1x457xi32, #tpu.memory_space<vmem>>
    %dma_start3A_24 = tpu.memref_squeeze %dma_start3A_23 : memref<1x457xi32, #tpu.memory_space<vmem>> -> memref<457xi32, #tpu.memory_space<vmem>>
    %dma_start3A_25 = arith.constant 0 : i32
    %dma_start3A_26 = tpu.memref_slice %arg4[%add3A_20, %dma_start3A_25] : memref<1024x457xi32, #tpu.memory_space<hbm>> -> memref<1x457xi32, #tpu.memory_space<hbm>>
    %dma_start3A_27 = tpu.memref_squeeze %dma_start3A_26 : memref<1x457xi32, #tpu.memory_space<hbm>> -> memref<457xi32, #tpu.memory_space<hbm>>
    %dma_start3A_28 = arith.constant 0 : i32
    %dma_start3A_29 = tpu.memref_slice %arg8[%dma_start3A_21, %dma_start3A_28] : memref<2x457xi32, #tpu.memory_space<vmem>> -> memref<1x457xi32, #tpu.memory_space<vmem>>
    %dma_start3A_30 = tpu.memref_squeeze %dma_start3A_29 : memref<1x457xi32, #tpu.memory_space<vmem>> -> memref<457xi32, #tpu.memory_space<vmem>>
    %dma_start3A_31 = arith.constant 0 : i32
    %dma_start3A_32 = tpu.memref_slice %arg4[%add3A_20, %dma_start3A_31] : memref<1024x457xi32, #tpu.memory_space<hbm>> -> memref<1x457xi32, #tpu.memory_space<hbm>>
    %dma_start3A_33 = tpu.memref_squeeze %dma_start3A_32 : memref<1x457xi32, #tpu.memory_space<hbm>> -> memref<457xi32, #tpu.memory_space<hbm>>
    tpu.enqueue_dma source(%dma_start3A_33 : memref<457xi32, #tpu.memory_space<hbm>>) target(%dma_start3A_30 : memref<457xi32, #tpu.memory_space<vmem>>) target_semaphore(%arg13 : memref<!tpu.dma_semaphore, #tpu.memory_space<semaphore_mem>>)
    %scan3A = arith.constant 0 : i32
    %scan3A_34 = arith.constant 0 : i32
    %scan3A_35 = arith.constant 16 : i32
    %scan3A_36 = arith.addi %scan3A_34, %scan3A_35 : i32
    %scan3A_37 = arith.constant 1 : i32
    scf.for %scan3A_148 = %scan3A_34 to %scan3A_36 step %scan3A_37  : i32 {
      %mul3A_149 = arith.constant 2 : i32
      %mul3A_150 = arith.muli %mul3A_149, %scan3A_148 : i32
      %add3A_151 = arith.constant 0 : i32
      %add3A_152 = arith.addi %mul3A_150, %add3A_151 : i32
      %dma_wait3A_153 = arith.constant 0 : i32
      %dma_wait3A_154 = arith.constant 0 : i32
      %dma_wait3A_155 = arith.constant 0 : i32
      %dma_wait3A_156 = tpu.memref_slice %arg8[%dma_wait3A_154, %dma_wait3A_155] : memref<2x457xi32, #tpu.memory_space<vmem>> -> memref<1x457xi32, #tpu.memory_space<vmem>>
      %dma_wait3A_157 = tpu.memref_squeeze %dma_wait3A_156 : memref<1x457xi32, #tpu.memory_space<vmem>> -> memref<457xi32, #tpu.memory_space<vmem>>
      %dma_wait3A_158 = arith.constant 0 : i32
      %dma_wait3A_159 = tpu.memref_slice %arg4[%dma_wait3A_153, %dma_wait3A_158] : memref<1024x457xi32, #tpu.memory_space<hbm>> -> memref<1x457xi32, #tpu.memory_space<hbm>>
      %dma_wait3A_160 = tpu.memref_squeeze %dma_wait3A_159 : memref<1x457xi32, #tpu.memory_space<hbm>> -> memref<457xi32, #tpu.memory_space<hbm>>
      %dma_wait3A_161 = arith.constant 0 : i32
      %dma_wait3A_162 = tpu.memref_slice %arg8[%dma_wait3A_154, %dma_wait3A_161] : memref<2x457xi32, #tpu.memory_space<vmem>> -> memref<1x457xi32, #tpu.memory_space<vmem>>
      %dma_wait3A_163 = tpu.memref_squeeze %dma_wait3A_162 : memref<1x457xi32, #tpu.memory_space<vmem>> -> memref<457xi32, #tpu.memory_space<vmem>>
      %dma_wait3A_164 = arith.constant 0 : i32
      %dma_wait3A_165 = tpu.memref_slice %arg4[%dma_wait3A_153, %dma_wait3A_164] : memref<1024x457xi32, #tpu.memory_space<hbm>> -> memref<1x457xi32, #tpu.memory_space<hbm>>
      %dma_wait3A_166 = tpu.memref_squeeze %dma_wait3A_165 : memref<1x457xi32, #tpu.memory_space<hbm>> -> memref<457xi32, #tpu.memory_space<hbm>>
      tpu.wait_dma2 semaphore(%arg12 : memref<!tpu.dma_semaphore, #tpu.memory_space<semaphore_mem>>) src(%dma_wait3A_166 : memref<457xi32, #tpu.memory_space<hbm>>) dst(%dma_wait3A_163 : memref<457xi32, #tpu.memory_space<vmem>>)
      %ge3A = arith.constant 2 : i32
      %ge3A_167 = arith.cmpi sge, %add3A_152, %ge3A : i32
      %convert_element_type3A_168 = arith.extui %ge3A_167 : i1 to i32
      %cond3A_169 = arith.constant 0 : i32
      %cond3A_170 = arith.cmpi ne, %convert_element_type3A_168, %cond3A_169 : i32
      scf.if %cond3A_170 {
        %dma_wait3A_523 = arith.constant 0 : i32
        %dma_wait3A_524 = arith.constant 0 : i32
        %dma_wait3A_525 = arith.constant 0 : i32
        %dma_wait3A_526 = arith.constant 0 : i32
        %dma_wait3A_527 = tpu.memref_slice %arg9[%dma_wait3A_523, %dma_wait3A_525, %dma_wait3A_526] : memref<2x457x64xf32, #tpu.memory_space<vmem>> -> memref<1x457x64xf32, #tpu.memory_space<vmem>>
        %dma_wait3A_528 = tpu.memref_squeeze %dma_wait3A_527 : memref<1x457x64xf32, #tpu.memory_space<vmem>> -> memref<457x64xf32, #tpu.memory_space<vmem>>
        %dma_wait3A_529 = arith.constant 0 : i32
        %dma_wait3A_530 = arith.constant 0 : i32
        %dma_wait3A_531 = tpu.memref_slice %arg6[%dma_wait3A_524, %dma_wait3A_529, %dma_wait3A_530] : memref<1024x457x64xf32, #tpu.memory_space<hbm>> -> memref<1x457x64xf32, #tpu.memory_space<hbm>>
        %dma_wait3A_532 = tpu.memref_squeeze %dma_wait3A_531 : memref<1x457x64xf32, #tpu.memory_space<hbm>> -> memref<457x64xf32, #tpu.memory_space<hbm>>
        %dma_wait3A_533 = arith.constant 0 : i32
        %dma_wait3A_534 = arith.constant 0 : i32
        %dma_wait3A_535 = tpu.memref_slice %arg6[%dma_wait3A_524, %dma_wait3A_533, %dma_wait3A_534] : memref<1024x457x64xf32, #tpu.memory_space<hbm>> -> memref<1x457x64xf32, #tpu.memory_space<hbm>>
        %dma_wait3A_536 = tpu.memref_squeeze %dma_wait3A_535 : memref<1x457x64xf32, #tpu.memory_space<hbm>> -> memref<457x64xf32, #tpu.memory_space<hbm>>
        %dma_wait3A_537 = arith.constant 0 : i32
        %dma_wait3A_538 = arith.constant 0 : i32
        %dma_wait3A_539 = tpu.memref_slice %arg9[%dma_wait3A_523, %dma_wait3A_537, %dma_wait3A_538] : memref<2x457x64xf32, #tpu.memory_space<vmem>> -> memref<1x457x64xf32, #tpu.memory_space<vmem>>
        %dma_wait3A_540 = tpu.memref_squeeze %dma_wait3A_539 : memref<1x457x64xf32, #tpu.memory_space<vmem>> -> memref<457x64xf32, #tpu.memory_space<vmem>>
        tpu.wait_dma2 semaphore(%arg16 : memref<!tpu.dma_semaphore, #tpu.memory_space<semaphore_mem>>) src(%dma_wait3A_540 : memref<457x64xf32, #tpu.memory_space<vmem>>) dst(%dma_wait3A_536 : memref<457x64xf32, #tpu.memory_space<hbm>>)
      } else {
      }
      %dma_start3A_171 = arith.constant 0 : i32
      %dma_start3A_172 = arith.constant 0 : i32
      %dma_start3A_173 = arith.constant 0 : i32
      %dma_start3A_174 = arith.constant 0 : i32
      %dma_start3A_175 = tpu.memref_slice %arg9[%dma_start3A_172, %dma_start3A_173, %dma_start3A_174] : memref<2x457x64xf32, #tpu.memory_space<vmem>> -> memref<1x457x64xf32, #tpu.memory_space<vmem>>
      %dma_start3A_176 = tpu.memref_squeeze %dma_start3A_175 : memref<1x457x64xf32, #tpu.memory_space<vmem>> -> memref<457x64xf32, #tpu.memory_space<vmem>>
      %dma_start3A_177 = arith.constant 0 : i32
      %dma_start3A_178 = arith.constant 0 : i32
      %dma_start3A_179 = tpu.memref_slice %dma_start3A_176[%dma_start3A_177, %dma_start3A_178] : memref<457x64xf32, #tpu.memory_space<vmem>> -> memref<128x64xf32, #tpu.memory_space<vmem>>
      %dma_start3A_180 = arith.constant 0 : i32
      %dma_start3A_181 = tpu.memref_slice %arg8[%dma_start3A_171, %dma_start3A_180] : memref<2x457xi32, #tpu.memory_space<vmem>> -> memref<1x457xi32, #tpu.memory_space<vmem>>
      %dma_start3A_182 = tpu.memref_squeeze %dma_start3A_181 : memref<1x457xi32, #tpu.memory_space<vmem>> -> memref<457xi32, #tpu.memory_space<vmem>>
      %dma_start3A_183 = arith.constant 0 : i32
      %dma_start3A_184 = tpu.memref_slice %dma_start3A_182[%dma_start3A_183] : memref<457xi32, #tpu.memory_space<vmem>> -> memref<128xi32, #tpu.memory_space<vmem>>
      %dma_start3A_185 = arith.constant 0 : i32
      %dma_start3A_186 = arith.constant 0 : i32
      %dma_start3A_187 = tpu.memref_slice %arg10[%dma_start3A_185, %dma_start3A_186] : memref<457x64xf32, #tpu.memory_space<vmem_shared>> -> memref<457x64xf32, #tpu.memory_space<vmem_shared>>
      tpu.enqueue_indirect_dma source(%dma_start3A_187 : memref<457x64xf32, #tpu.memory_space<vmem_shared>>) target(%dma_start3A_179 : memref<128x64xf32, #tpu.memory_space<vmem>>) offsets(%dma_start3A_184 : memref<128xi32, #tpu.memory_space<vmem>>) semaphore(%arg14 : memref<!tpu.dma_semaphore, #tpu.memory_space<semaphore_mem>>)
      %dma_start3A_188 = arith.constant 0 : i32
      %dma_start3A_189 = arith.constant 0 : i32
      %dma_start3A_190 = arith.constant 0 : i32
      %dma_start3A_191 = arith.constant 0 : i32
      %dma_start3A_192 = tpu.memref_slice %arg9[%dma_start3A_189, %dma_start3A_190, %dma_start3A_191] : memref<2x457x64xf32, #tpu.memory_space<vmem>> -> memref<1x457x64xf32, #tpu.memory_space<vmem>>
      %dma_start3A_193 = tpu.memref_squeeze %dma_start3A_192 : memref<1x457x64xf32, #tpu.memory_space<vmem>> -> memref<457x64xf32, #tpu.memory_space<vmem>>
      %dma_start3A_194 = arith.constant 128 : i32
      %dma_start3A_195 = arith.constant 0 : i32
      %dma_start3A_196 = tpu.memref_slice %dma_start3A_193[%dma_start3A_194, %dma_start3A_195] : memref<457x64xf32, #tpu.memory_space<vmem>> -> memref<128x64xf32, #tpu.memory_space<vmem>>
      %dma_start3A_197 = arith.constant 0 : i32
      %dma_start3A_198 = tpu.memref_slice %arg8[%dma_start3A_188, %dma_start3A_197] : memref<2x457xi32, #tpu.memory_space<vmem>> -> memref<1x457xi32, #tpu.memory_space<vmem>>
      %dma_start3A_199 = tpu.memref_squeeze %dma_start3A_198 : memref<1x457xi32, #tpu.memory_space<vmem>> -> memref<457xi32, #tpu.memory_space<vmem>>
      %dma_start3A_200 = arith.constant 128 : i32
      %dma_start3A_201 = tpu.memref_slice %dma_start3A_199[%dma_start3A_200] : memref<457xi32, #tpu.memory_space<vmem>> -> memref<128xi32, #tpu.memory_space<vmem>>
      %dma_start3A_202 = arith.constant 0 : i32
      %dma_start3A_203 = arith.constant 0 : i32
      %dma_start3A_204 = tpu.memref_slice %arg10[%dma_start3A_202, %dma_start3A_203] : memref<457x64xf32, #tpu.memory_space<vmem_shared>> -> memref<457x64xf32, #tpu.memory_space<vmem_shared>>
      tpu.enqueue_indirect_dma source(%dma_start3A_204 : memref<457x64xf32, #tpu.memory_space<vmem_shared>>) target(%dma_start3A_196 : memref<128x64xf32, #tpu.memory_space<vmem>>) offsets(%dma_start3A_201 : memref<128xi32, #tpu.memory_space<vmem>>) semaphore(%arg14 : memref<!tpu.dma_semaphore, #tpu.memory_space<semaphore_mem>>)
      %dma_start3A_205 = arith.constant 0 : i32
      %dma_start3A_206 = arith.constant 0 : i32
      %dma_start3A_207 = arith.constant 0 : i32
      %dma_start3A_208 = arith.constant 0 : i32
      %dma_start3A_209 = tpu.memref_slice %arg9[%dma_start3A_206, %dma_start3A_207, %dma_start3A_208] : memref<2x457x64xf32, #tpu.memory_space<vmem>> -> memref<1x457x64xf32, #tpu.memory_space<vmem>>
      %dma_start3A_210 = tpu.memref_squeeze %dma_start3A_209 : memref<1x457x64xf32, #tpu.memory_space<vmem>> -> memref<457x64xf32, #tpu.memory_space<vmem>>
      %dma_start3A_211 = arith.constant 256 : i32
      %dma_start3A_212 = arith.constant 0 : i32
      %dma_start3A_213 = tpu.memref_slice %dma_start3A_210[%dma_start3A_211, %dma_start3A_212] : memref<457x64xf32, #tpu.memory_space<vmem>> -> memref<128x64xf32, #tpu.memory_space<vmem>>
      %dma_start3A_214 = arith.constant 0 : i32
      %dma_start3A_215 = tpu.memref_slice %arg8[%dma_start3A_205, %dma_start3A_214] : memref<2x457xi32, #tpu.memory_space<vmem>> -> memref<1x457xi32, #tpu.memory_space<vmem>>
      %dma_start3A_216 = tpu.memref_squeeze %dma_start3A_215 : memref<1x457xi32, #tpu.memory_space<vmem>> -> memref<457xi32, #tpu.memory_space<vmem>>
      %dma_start3A_217 = arith.constant 256 : i32
      %dma_start3A_218 = tpu.memref_slice %dma_start3A_216[%dma_start3A_217] : memref<457xi32, #tpu.memory_space<vmem>> -> memref<128xi32, #tpu.memory_space<vmem>>
      %dma_start3A_219 = arith.constant 0 : i32
      %dma_start3A_220 = arith.constant 0 : i32
      %dma_start3A_221 = tpu.memref_slice %arg10[%dma_start3A_219, %dma_start3A_220] : memref<457x64xf32, #tpu.memory_space<vmem_shared>> -> memref<457x64xf32, #tpu.memory_space<vmem_shared>>
      tpu.enqueue_indirect_dma source(%dma_start3A_221 : memref<457x64xf32, #tpu.memory_space<vmem_shared>>) target(%dma_start3A_213 : memref<128x64xf32, #tpu.memory_space<vmem>>) offsets(%dma_start3A_218 : memref<128xi32, #tpu.memory_space<vmem>>) semaphore(%arg14 : memref<!tpu.dma_semaphore, #tpu.memory_space<semaphore_mem>>)
      %dma_start3A_222 = arith.constant 0 : i32
      %dma_start3A_223 = arith.constant 0 : i32
      %dma_start3A_224 = arith.constant 0 : i32
      %dma_start3A_225 = arith.constant 0 : i32
      %dma_start3A_226 = tpu.memref_slice %arg9[%dma_start3A_223, %dma_start3A_224, %dma_start3A_225] : memref<2x457x64xf32, #tpu.memory_space<vmem>> -> memref<1x457x64xf32, #tpu.memory_space<vmem>>
      %dma_start3A_227 = tpu.memref_squeeze %dma_start3A_226 : memref<1x457x64xf32, #tpu.memory_space<vmem>> -> memref<457x64xf32, #tpu.memory_space<vmem>>
      %dma_start3A_228 = arith.constant 384 : i32
      %dma_start3A_229 = arith.constant 0 : i32
      %dma_start3A_230 = tpu.memref_slice %dma_start3A_227[%dma_start3A_228, %dma_start3A_229] : memref<457x64xf32, #tpu.memory_space<vmem>> -> memref<73x64xf32, #tpu.memory_space<vmem>>
      %dma_start3A_231 = arith.constant 0 : i32
      %dma_start3A_232 = tpu.memref_slice %arg8[%dma_start3A_222, %dma_start3A_231] : memref<2x457xi32, #tpu.memory_space<vmem>> -> memref<1x457xi32, #tpu.memory_space<vmem>>
      %dma_start3A_233 = tpu.memref_squeeze %dma_start3A_232 : memref<1x457xi32, #tpu.memory_space<vmem>> -> memref<457xi32, #tpu.memory_space<vmem>>
      %dma_start3A_234 = arith.constant 384 : i32
      %dma_start3A_235 = tpu.memref_slice %dma_start3A_233[%dma_start3A_234] : memref<457xi32, #tpu.memory_space<vmem>> -> memref<73xi32, #tpu.memory_space<vmem>>
      %dma_start3A_236 = arith.constant 0 : i32
      %dma_start3A_237 = arith.constant 0 : i32
      %dma_start3A_238 = tpu.memref_slice %arg10[%dma_start3A_236, %dma_start3A_237] : memref<457x64xf32, #tpu.memory_space<vmem_shared>> -> memref<457x64xf32, #tpu.memory_space<vmem_shared>>
      tpu.enqueue_indirect_dma source(%dma_start3A_238 : memref<457x64xf32, #tpu.memory_space<vmem_shared>>) target(%dma_start3A_230 : memref<73x64xf32, #tpu.memory_space<vmem>>) offsets(%dma_start3A_235 : memref<73xi32, #tpu.memory_space<vmem>>) semaphore(%arg14 : memref<!tpu.dma_semaphore, #tpu.memory_space<semaphore_mem>>)
      %mul3A_239 = arith.constant 2 : i32
      %mul3A_240 = arith.muli %mul3A_239, %scan3A_148 : i32
      %add3A_241 = arith.constant 1 : i32
      %add3A_242 = arith.addi %mul3A_240, %add3A_241 : i32
      %dma_wait3A_243 = arith.constant 0 : i32
      %dma_wait3A_244 = arith.constant 1 : i32
      %dma_wait3A_245 = arith.constant 0 : i32
      %dma_wait3A_246 = tpu.memref_slice %arg8[%dma_wait3A_244, %dma_wait3A_245] : memref<2x457xi32, #tpu.memory_space<vmem>> -> memref<1x457xi32, #tpu.memory_space<vmem>>
      %dma_wait3A_247 = tpu.memref_squeeze %dma_wait3A_246 : memref<1x457xi32, #tpu.memory_space<vmem>> -> memref<457xi32, #tpu.memory_space<vmem>>
      %dma_wait3A_248 = arith.constant 0 : i32
      %dma_wait3A_249 = tpu.memref_slice %arg4[%dma_wait3A_243, %dma_wait3A_248] : memref<1024x457xi32, #tpu.memory_space<hbm>> -> memref<1x457xi32, #tpu.memory_space<hbm>>
      %dma_wait3A_250 = tpu.memref_squeeze %dma_wait3A_249 : memref<1x457xi32, #tpu.memory_space<hbm>> -> memref<457xi32, #tpu.memory_space<hbm>>
      %dma_wait3A_251 = arith.constant 0 : i32
      %dma_wait3A_252 = tpu.memref_slice %arg8[%dma_wait3A_244, %dma_wait3A_251] : memref<2x457xi32, #tpu.memory_space<vmem>> -> memref<1x457xi32, #tpu.memory_space<vmem>>
      %dma_wait3A_253 = tpu.memref_squeeze %dma_wait3A_252 : memref<1x457xi32, #tpu.memory_space<vmem>> -> memref<457xi32, #tpu.memory_space<vmem>>
      %dma_wait3A_254 = arith.constant 0 : i32
      %dma_wait3A_255 = tpu.memref_slice %arg4[%dma_wait3A_243, %dma_wait3A_254] : memref<1024x457xi32, #tpu.memory_space<hbm>> -> memref<1x457xi32, #tpu.memory_space<hbm>>
      %dma_wait3A_256 = tpu.memref_squeeze %dma_wait3A_255 : memref<1x457xi32, #tpu.memory_space<hbm>> -> memref<457xi32, #tpu.memory_space<hbm>>
      tpu.wait_dma2 semaphore(%arg13 : memref<!tpu.dma_semaphore, #tpu.memory_space<semaphore_mem>>) src(%dma_wait3A_256 : memref<457xi32, #tpu.memory_space<hbm>>) dst(%dma_wait3A_253 : memref<457xi32, #tpu.memory_space<vmem>>)
      %ge3A_257 = arith.constant 2 : i32
      %ge3A_258 = arith.cmpi sge, %add3A_242, %ge3A_257 : i32
      %convert_element_type3A_259 = arith.extui %ge3A_258 : i1 to i32
      %cond3A_260 = arith.constant 0 : i32
      %cond3A_261 = arith.cmpi ne, %convert_element_type3A_259, %cond3A_260 : i32
      scf.if %cond3A_261 {
        %dma_wait3A_523 = arith.constant 1 : i32
        %dma_wait3A_524 = arith.constant 0 : i32
        %dma_wait3A_525 = arith.constant 0 : i32
        %dma_wait3A_526 = arith.constant 0 : i32
        %dma_wait3A_527 = tpu.memref_slice %arg9[%dma_wait3A_523, %dma_wait3A_525, %dma_wait3A_526] : memref<2x457x64xf32, #tpu.memory_space<vmem>> -> memref<1x457x64xf32, #tpu.memory_space<vmem>>
        %dma_wait3A_528 = tpu.memref_squeeze %dma_wait3A_527 : memref<1x457x64xf32, #tpu.memory_space<vmem>> -> memref<457x64xf32, #tpu.memory_space<vmem>>
        %dma_wait3A_529 = arith.constant 0 : i32
        %dma_wait3A_530 = arith.constant 0 : i32
        %dma_wait3A_531 = tpu.memref_slice %arg6[%dma_wait3A_524, %dma_wait3A_529, %dma_wait3A_530] : memref<1024x457x64xf32, #tpu.memory_space<hbm>> -> memref<1x457x64xf32, #tpu.memory_space<hbm>>
        %dma_wait3A_532 = tpu.memref_squeeze %dma_wait3A_531 : memref<1x457x64xf32, #tpu.memory_space<hbm>> -> memref<457x64xf32, #tpu.memory_space<hbm>>
        %dma_wait3A_533 = arith.constant 0 : i32
        %dma_wait3A_534 = arith.constant 0 : i32
        %dma_wait3A_535 = tpu.memref_slice %arg6[%dma_wait3A_524, %dma_wait3A_533, %dma_wait3A_534] : memref<1024x457x64xf32, #tpu.memory_space<hbm>> -> memref<1x457x64xf32, #tpu.memory_space<hbm>>
        %dma_wait3A_536 = tpu.memref_squeeze %dma_wait3A_535 : memref<1x457x64xf32, #tpu.memory_space<hbm>> -> memref<457x64xf32, #tpu.memory_space<hbm>>
        %dma_wait3A_537 = arith.constant 0 : i32
        %dma_wait3A_538 = arith.constant 0 : i32
        %dma_wait3A_539 = tpu.memref_slice %arg9[%dma_wait3A_523, %dma_wait3A_537, %dma_wait3A_538] : memref<2x457x64xf32, #tpu.memory_space<vmem>> -> memref<1x457x64xf32, #tpu.memory_space<vmem>>
        %dma_wait3A_540 = tpu.memref_squeeze %dma_wait3A_539 : memref<1x457x64xf32, #tpu.memory_space<vmem>> -> memref<457x64xf32, #tpu.memory_space<vmem>>
        tpu.wait_dma2 semaphore(%arg17 : memref<!tpu.dma_semaphore, #tpu.memory_space<semaphore_mem>>) src(%dma_wait3A_540 : memref<457x64xf32, #tpu.memory_space<vmem>>) dst(%dma_wait3A_536 : memref<457x64xf32, #tpu.memory_space<hbm>>)
      } else {
      }
      %dma_start3A_262 = arith.constant 1 : i32
      %dma_start3A_263 = arith.constant 1 : i32
      %dma_start3A_264 = arith.constant 0 : i32
      %dma_start3A_265 = arith.constant 0 : i32
      %dma_start3A_266 = tpu.memref_slice %arg9[%dma_start3A_263, %dma_start3A_264, %dma_start3A_265] : memref<2x457x64xf32, #tpu.memory_space<vmem>> -> memref<1x457x64xf32, #tpu.memory_space<vmem>>
      %dma_start3A_267 = tpu.memref_squeeze %dma_start3A_266 : memref<1x457x64xf32, #tpu.memory_space<vmem>> -> memref<457x64xf32, #tpu.memory_space<vmem>>
      %dma_start3A_268 = arith.constant 0 : i32
      %dma_start3A_269 = arith.constant 0 : i32
      %dma_start3A_270 = tpu.memref_slice %dma_start3A_267[%dma_start3A_268, %dma_start3A_269] : memref<457x64xf32, #tpu.memory_space<vmem>> -> memref<128x64xf32, #tpu.memory_space<vmem>>
      %dma_start3A_271 = arith.constant 0 : i32
      %dma_start3A_272 = tpu.memref_slice %arg8[%dma_start3A_262, %dma_start3A_271] : memref<2x457xi32, #tpu.memory_space<vmem>> -> memref<1x457xi32, #tpu.memory_space<vmem>>
      %dma_start3A_273 = tpu.memref_squeeze %dma_start3A_272 : memref<1x457xi32, #tpu.memory_space<vmem>> -> memref<457xi32, #tpu.memory_space<vmem>>
      %dma_start3A_274 = arith.constant 0 : i32
      %dma_start3A_275 = tpu.memref_slice %dma_start3A_273[%dma_start3A_274] : memref<457xi32, #tpu.memory_space<vmem>> -> memref<128xi32, #tpu.memory_space<vmem>>
      %dma_start3A_276 = arith.constant 0 : i32
      %dma_start3A_277 = arith.constant 0 : i32
      %dma_start3A_278 = tpu.memref_slice %arg10[%dma_start3A_276, %dma_start3A_277] : memref<457x64xf32, #tpu.memory_space<vmem_shared>> -> memref<457x64xf32, #tpu.memory_space<vmem_shared>>
      tpu.enqueue_indirect_dma source(%dma_start3A_278 : memref<457x64xf32, #tpu.memory_space<vmem_shared>>) target(%dma_start3A_270 : memref<128x64xf32, #tpu.memory_space<vmem>>) offsets(%dma_start3A_275 : memref<128xi32, #tpu.memory_space<vmem>>) semaphore(%arg15 : memref<!tpu.dma_semaphore, #tpu.memory_space<semaphore_mem>>)
      %dma_start3A_279 = arith.constant 1 : i32
      %dma_start3A_280 = arith.constant 1 : i32
      %dma_start3A_281 = arith.constant 0 : i32
      %dma_start3A_282 = arith.constant 0 : i32
      %dma_start3A_283 = tpu.memref_slice %arg9[%dma_start3A_280, %dma_start3A_281, %dma_start3A_282] : memref<2x457x64xf32, #tpu.memory_space<vmem>> -> memref<1x457x64xf32, #tpu.memory_space<vmem>>
      %dma_start3A_284 = tpu.memref_squeeze %dma_start3A_283 : memref<1x457x64xf32, #tpu.memory_space<vmem>> -> memref<457x64xf32, #tpu.memory_space<vmem>>
      %dma_start3A_285 = arith.constant 128 : i32
      %dma_start3A_286 = arith.constant 0 : i32
      %dma_start3A_287 = tpu.memref_slice %dma_start3A_284[%dma_start3A_285, %dma_start3A_286] : memref<457x64xf32, #tpu.memory_space<vmem>> -> memref<128x64xf32, #tpu.memory_space<vmem>>
      %dma_start3A_288 = arith.constant 0 : i32
      %dma_start3A_289 = tpu.memref_slice %arg8[%dma_start3A_279, %dma_start3A_288] : memref<2x457xi32, #tpu.memory_space<vmem>> -> memref<1x457xi32, #tpu.memory_space<vmem>>
      %dma_start3A_290 = tpu.memref_squeeze %dma_start3A_289 : memref<1x457xi32, #tpu.memory_space<vmem>> -> memref<457xi32, #tpu.memory_space<vmem>>
      %dma_start3A_291 = arith.constant 128 : i32
      %dma_start3A_292 = tpu.memref_slice %dma_start3A_290[%dma_start3A_291] : memref<457xi32, #tpu.memory_space<vmem>> -> memref<128xi32, #tpu.memory_space<vmem>>
      %dma_start3A_293 = arith.constant 0 : i32
      %dma_start3A_294 = arith.constant 0 : i32
      %dma_start3A_295 = tpu.memref_slice %arg10[%dma_start3A_293, %dma_start3A_294] : memref<457x64xf32, #tpu.memory_space<vmem_shared>> -> memref<457x64xf32, #tpu.memory_space<vmem_shared>>
      tpu.enqueue_indirect_dma source(%dma_start3A_295 : memref<457x64xf32, #tpu.memory_space<vmem_shared>>) target(%dma_start3A_287 : memref<128x64xf32, #tpu.memory_space<vmem>>) offsets(%dma_start3A_292 : memref<128xi32, #tpu.memory_space<vmem>>) semaphore(%arg15 : memref<!tpu.dma_semaphore, #tpu.memory_space<semaphore_mem>>)
      %dma_start3A_296 = arith.constant 1 : i32
      %dma_start3A_297 = arith.constant 1 : i32
      %dma_start3A_298 = arith.constant 0 : i32
      %dma_start3A_299 = arith.constant 0 : i32
      %dma_start3A_300 = tpu.memref_slice %arg9[%dma_start3A_297, %dma_start3A_298, %dma_start3A_299] : memref<2x457x64xf32, #tpu.memory_space<vmem>> -> memref<1x457x64xf32, #tpu.memory_space<vmem>>
      %dma_start3A_301 = tpu.memref_squeeze %dma_start3A_300 : memref<1x457x64xf32, #tpu.memory_space<vmem>> -> memref<457x64xf32, #tpu.memory_space<vmem>>
      %dma_start3A_302 = arith.constant 256 : i32
      %dma_start3A_303 = arith.constant 0 : i32
      %dma_start3A_304 = tpu.memref_slice %dma_start3A_301[%dma_start3A_302, %dma_start3A_303] : memref<457x64xf32, #tpu.memory_space<vmem>> -> memref<128x64xf32, #tpu.memory_space<vmem>>
      %dma_start3A_305 = arith.constant 0 : i32
      %dma_start3A_306 = tpu.memref_slice %arg8[%dma_start3A_296, %dma_start3A_305] : memref<2x457xi32, #tpu.memory_space<vmem>> -> memref<1x457xi32, #tpu.memory_space<vmem>>
      %dma_start3A_307 = tpu.memref_squeeze %dma_start3A_306 : memref<1x457xi32, #tpu.memory_space<vmem>> -> memref<457xi32, #tpu.memory_space<vmem>>
      %dma_start3A_308 = arith.constant 256 : i32
      %dma_start3A_309 = tpu.memref_slice %dma_start3A_307[%dma_start3A_308] : memref<457xi32, #tpu.memory_space<vmem>> -> memref<128xi32, #tpu.memory_space<vmem>>
      %dma_start3A_310 = arith.constant 0 : i32
      %dma_start3A_311 = arith.constant 0 : i32
      %dma_start3A_312 = tpu.memref_slice %arg10[%dma_start3A_310, %dma_start3A_311] : memref<457x64xf32, #tpu.memory_space<vmem_shared>> -> memref<457x64xf32, #tpu.memory_space<vmem_shared>>
      tpu.enqueue_indirect_dma source(%dma_start3A_312 : memref<457x64xf32, #tpu.memory_space<vmem_shared>>) target(%dma_start3A_304 : memref<128x64xf32, #tpu.memory_space<vmem>>) offsets(%dma_start3A_309 : memref<128xi32, #tpu.memory_space<vmem>>) semaphore(%arg15 : memref<!tpu.dma_semaphore, #tpu.memory_space<semaphore_mem>>)
      %dma_start3A_313 = arith.constant 1 : i32
      %dma_start3A_314 = arith.constant 1 : i32
      %dma_start3A_315 = arith.constant 0 : i32
      %dma_start3A_316 = arith.constant 0 : i32
      %dma_start3A_317 = tpu.memref_slice %arg9[%dma_start3A_314, %dma_start3A_315, %dma_start3A_316] : memref<2x457x64xf32, #tpu.memory_space<vmem>> -> memref<1x457x64xf32, #tpu.memory_space<vmem>>
      %dma_start3A_318 = tpu.memref_squeeze %dma_start3A_317 : memref<1x457x64xf32, #tpu.memory_space<vmem>> -> memref<457x64xf32, #tpu.memory_space<vmem>>
      %dma_start3A_319 = arith.constant 384 : i32
      %dma_start3A_320 = arith.constant 0 : i32
      %dma_start3A_321 = tpu.memref_slice %dma_start3A_318[%dma_start3A_319, %dma_start3A_320] : memref<457x64xf32, #tpu.memory_space<vmem>> -> memref<73x64xf32, #tpu.memory_space<vmem>>
      %dma_start3A_322 = arith.constant 0 : i32
      %dma_start3A_323 = tpu.memref_slice %arg8[%dma_start3A_313, %dma_start3A_322] : memref<2x457xi32, #tpu.memory_space<vmem>> -> memref<1x457xi32, #tpu.memory_space<vmem>>
      %dma_start3A_324 = tpu.memref_squeeze %dma_start3A_323 : memref<1x457xi32, #tpu.memory_space<vmem>> -> memref<457xi32, #tpu.memory_space<vmem>>
      %dma_start3A_325 = arith.constant 384 : i32
      %dma_start3A_326 = tpu.memref_slice %dma_start3A_324[%dma_start3A_325] : memref<457xi32, #tpu.memory_space<vmem>> -> memref<73xi32, #tpu.memory_space<vmem>>
      %dma_start3A_327 = arith.constant 0 : i32
      %dma_start3A_328 = arith.constant 0 : i32
      %dma_start3A_329 = tpu.memref_slice %arg10[%dma_start3A_327, %dma_start3A_328] : memref<457x64xf32, #tpu.memory_space<vmem_shared>> -> memref<457x64xf32, #tpu.memory_space<vmem_shared>>
      tpu.enqueue_indirect_dma source(%dma_start3A_329 : memref<457x64xf32, #tpu.memory_space<vmem_shared>>) target(%dma_start3A_321 : memref<73x64xf32, #tpu.memory_space<vmem>>) offsets(%dma_start3A_326 : memref<73xi32, #tpu.memory_space<vmem>>) semaphore(%arg15 : memref<!tpu.dma_semaphore, #tpu.memory_space<semaphore_mem>>)
      %mul3A_330 = arith.constant 2 : i32
      %mul3A_331 = arith.muli %mul3A_330, %scan3A_148 : i32
      %add3A_332 = arith.constant 0 : i32
      %add3A_333 = arith.addi %mul3A_331, %add3A_332 : i32
      %dma_wait3A_334 = arith.constant 0 : i32
      %dma_wait3A_335 = arith.constant 0 : i32
      %dma_wait3A_336 = arith.constant 0 : i32
      %dma_wait3A_337 = arith.constant 0 : i32
      %dma_wait3A_338 = tpu.memref_slice %arg9[%dma_wait3A_335, %dma_wait3A_336, %dma_wait3A_337] : memref<2x457x64xf32, #tpu.memory_space<vmem>> -> memref<1x457x64xf32, #tpu.memory_space<vmem>>
      %dma_wait3A_339 = tpu.memref_squeeze %dma_wait3A_338 : memref<1x457x64xf32, #tpu.memory_space<vmem>> -> memref<457x64xf32, #tpu.memory_space<vmem>>
      %dma_wait3A_340 = arith.constant 0 : i32
      %dma_wait3A_341 = arith.constant 0 : i32
      %dma_wait3A_342 = tpu.memref_slice %dma_wait3A_339[%dma_wait3A_340, %dma_wait3A_341] : memref<457x64xf32, #tpu.memory_space<vmem>> -> memref<128x64xf32, #tpu.memory_space<vmem>>
      %dma_wait3A_343 = arith.constant 0 : i32
      %dma_wait3A_344 = tpu.memref_slice %arg8[%dma_wait3A_334, %dma_wait3A_343] : memref<2x457xi32, #tpu.memory_space<vmem>> -> memref<1x457xi32, #tpu.memory_space<vmem>>
      %dma_wait3A_345 = tpu.memref_squeeze %dma_wait3A_344 : memref<1x457xi32, #tpu.memory_space<vmem>> -> memref<457xi32, #tpu.memory_space<vmem>>
      %dma_wait3A_346 = arith.constant 0 : i32
      %dma_wait3A_347 = tpu.memref_slice %dma_wait3A_345[%dma_wait3A_346] : memref<457xi32, #tpu.memory_space<vmem>> -> memref<128xi32, #tpu.memory_space<vmem>>
      %dma_wait3A_348 = arith.constant 0 : i32
      %dma_wait3A_349 = arith.constant 0 : i32
      %dma_wait3A_350 = tpu.memref_slice %arg10[%dma_wait3A_348, %dma_wait3A_349] : memref<457x64xf32, #tpu.memory_space<vmem_shared>> -> memref<457x64xf32, #tpu.memory_space<vmem_shared>>
      tpu.wait_indirect_dma semaphore(%arg14 : memref<!tpu.dma_semaphore, #tpu.memory_space<semaphore_mem>>) src(%dma_wait3A_350 : memref<457x64xf32, #tpu.memory_space<vmem_shared>>) dst(%dma_wait3A_342 : memref<128x64xf32, #tpu.memory_space<vmem>>)
      %dma_wait3A_351 = arith.constant 0 : i32
      %dma_wait3A_352 = arith.constant 0 : i32
      %dma_wait3A_353 = arith.constant 0 : i32
      %dma_wait3A_354 = arith.constant 0 : i32
      %dma_wait3A_355 = tpu.memref_slice %arg9[%dma_wait3A_352, %dma_wait3A_353, %dma_wait3A_354] : memref<2x457x64xf32, #tpu.memory_space<vmem>> -> memref<1x457x64xf32, #tpu.memory_space<vmem>>
      %dma_wait3A_356 = tpu.memref_squeeze %dma_wait3A_355 : memref<1x457x64xf32, #tpu.memory_space<vmem>> -> memref<457x64xf32, #tpu.memory_space<vmem>>
      %dma_wait3A_357 = arith.constant 128 : i32
      %dma_wait3A_358 = arith.constant 0 : i32
      %dma_wait3A_359 = tpu.memref_slice %dma_wait3A_356[%dma_wait3A_357, %dma_wait3A_358] : memref<457x64xf32, #tpu.memory_space<vmem>> -> memref<128x64xf32, #tpu.memory_space<vmem>>
      %dma_wait3A_360 = arith.constant 0 : i32
      %dma_wait3A_361 = tpu.memref_slice %arg8[%dma_wait3A_351, %dma_wait3A_360] : memref<2x457xi32, #tpu.memory_space<vmem>> -> memref<1x457xi32, #tpu.memory_space<vmem>>
      %dma_wait3A_362 = tpu.memref_squeeze %dma_wait3A_361 : memref<1x457xi32, #tpu.memory_space<vmem>> -> memref<457xi32, #tpu.memory_space<vmem>>
      %dma_wait3A_363 = arith.constant 128 : i32
      %dma_wait3A_364 = tpu.memref_slice %dma_wait3A_362[%dma_wait3A_363] : memref<457xi32, #tpu.memory_space<vmem>> -> memref<128xi32, #tpu.memory_space<vmem>>
      %dma_wait3A_365 = arith.constant 0 : i32
      %dma_wait3A_366 = arith.constant 0 : i32
      %dma_wait3A_367 = tpu.memref_slice %arg10[%dma_wait3A_365, %dma_wait3A_366] : memref<457x64xf32, #tpu.memory_space<vmem_shared>> -> memref<457x64xf32, #tpu.memory_space<vmem_shared>>
      tpu.wait_indirect_dma semaphore(%arg14 : memref<!tpu.dma_semaphore, #tpu.memory_space<semaphore_mem>>) src(%dma_wait3A_367 : memref<457x64xf32, #tpu.memory_space<vmem_shared>>) dst(%dma_wait3A_359 : memref<128x64xf32, #tpu.memory_space<vmem>>)
      %dma_wait3A_368 = arith.constant 0 : i32
      %dma_wait3A_369 = arith.constant 0 : i32
      %dma_wait3A_370 = arith.constant 0 : i32
      %dma_wait3A_371 = arith.constant 0 : i32
      %dma_wait3A_372 = tpu.memref_slice %arg9[%dma_wait3A_369, %dma_wait3A_370, %dma_wait3A_371] : memref<2x457x64xf32, #tpu.memory_space<vmem>> -> memref<1x457x64xf32, #tpu.memory_space<vmem>>
      %dma_wait3A_373 = tpu.memref_squeeze %dma_wait3A_372 : memref<1x457x64xf32, #tpu.memory_space<vmem>> -> memref<457x64xf32, #tpu.memory_space<vmem>>
      %dma_wait3A_374 = arith.constant 256 : i32
      %dma_wait3A_375 = arith.constant 0 : i32
      %dma_wait3A_376 = tpu.memref_slice %dma_wait3A_373[%dma_wait3A_374, %dma_wait3A_375] : memref<457x64xf32, #tpu.memory_space<vmem>> -> memref<128x64xf32, #tpu.memory_space<vmem>>
      %dma_wait3A_377 = arith.constant 0 : i32
      %dma_wait3A_378 = tpu.memref_slice %arg8[%dma_wait3A_368, %dma_wait3A_377] : memref<2x457xi32, #tpu.memory_space<vmem>> -> memref<1x457xi32, #tpu.memory_space<vmem>>
      %dma_wait3A_379 = tpu.memref_squeeze %dma_wait3A_378 : memref<1x457xi32, #tpu.memory_space<vmem>> -> memref<457xi32, #tpu.memory_space<vmem>>
      %dma_wait3A_380 = arith.constant 256 : i32
      %dma_wait3A_381 = tpu.memref_slice %dma_wait3A_379[%dma_wait3A_380] : memref<457xi32, #tpu.memory_space<vmem>> -> memref<128xi32, #tpu.memory_space<vmem>>
      %dma_wait3A_382 = arith.constant 0 : i32
      %dma_wait3A_383 = arith.constant 0 : i32
      %dma_wait3A_384 = tpu.memref_slice %arg10[%dma_wait3A_382, %dma_wait3A_383] : memref<457x64xf32, #tpu.memory_space<vmem_shared>> -> memref<457x64xf32, #tpu.memory_space<vmem_shared>>
      tpu.wait_indirect_dma semaphore(%arg14 : memref<!tpu.dma_semaphore, #tpu.memory_space<semaphore_mem>>) src(%dma_wait3A_384 : memref<457x64xf32, #tpu.memory_space<vmem_shared>>) dst(%dma_wait3A_376 : memref<128x64xf32, #tpu.memory_space<vmem>>)
      %dma_wait3A_385 = arith.constant 0 : i32
      %dma_wait3A_386 = arith.constant 0 : i32
      %dma_wait3A_387 = arith.constant 0 : i32
      %dma_wait3A_388 = arith.constant 0 : i32
      %dma_wait3A_389 = tpu.memref_slice %arg9[%dma_wait3A_386, %dma_wait3A_387, %dma_wait3A_388] : memref<2x457x64xf32, #tpu.memory_space<vmem>> -> memref<1x457x64xf32, #tpu.memory_space<vmem>>
      %dma_wait3A_390 = tpu.memref_squeeze %dma_wait3A_389 : memref<1x457x64xf32, #tpu.memory_space<vmem>> -> memref<457x64xf32, #tpu.memory_space<vmem>>
      %dma_wait3A_391 = arith.constant 384 : i32
      %dma_wait3A_392 = arith.constant 0 : i32
      %dma_wait3A_393 = tpu.memref_slice %dma_wait3A_390[%dma_wait3A_391, %dma_wait3A_392] : memref<457x64xf32, #tpu.memory_space<vmem>> -> memref<73x64xf32, #tpu.memory_space<vmem>>
      %dma_wait3A_394 = arith.constant 0 : i32
      %dma_wait3A_395 = tpu.memref_slice %arg8[%dma_wait3A_385, %dma_wait3A_394] : memref<2x457xi32, #tpu.memory_space<vmem>> -> memref<1x457xi32, #tpu.memory_space<vmem>>
      %dma_wait3A_396 = tpu.memref_squeeze %dma_wait3A_395 : memref<1x457xi32, #tpu.memory_space<vmem>> -> memref<457xi32, #tpu.memory_space<vmem>>
      %dma_wait3A_397 = arith.constant 384 : i32
      %dma_wait3A_398 = tpu.memref_slice %dma_wait3A_396[%dma_wait3A_397] : memref<457xi32, #tpu.memory_space<vmem>> -> memref<73xi32, #tpu.memory_space<vmem>>
      %dma_wait3A_399 = arith.constant 0 : i32
      %dma_wait3A_400 = arith.constant 0 : i32
      %dma_wait3A_401 = tpu.memref_slice %arg10[%dma_wait3A_399, %dma_wait3A_400] : memref<457x64xf32, #tpu.memory_space<vmem_shared>> -> memref<457x64xf32, #tpu.memory_space<vmem_shared>>
      tpu.wait_indirect_dma semaphore(%arg14 : memref<!tpu.dma_semaphore, #tpu.memory_space<semaphore_mem>>) src(%dma_wait3A_401 : memref<457x64xf32, #tpu.memory_space<vmem_shared>>) dst(%dma_wait3A_393 : memref<73x64xf32, #tpu.memory_space<vmem>>)
      %add3A_402 = arith.addi %mul3A_4, %add3A_333 : i32
      %dma_start3A_403 = arith.constant 0 : i32
      %dma_start3A_404 = arith.constant 0 : i32
      %dma_start3A_405 = arith.constant 0 : i32
      %dma_start3A_406 = tpu.memref_slice %arg9[%dma_start3A_403, %dma_start3A_404, %dma_start3A_405] : memref<2x457x64xf32, #tpu.memory_space<vmem>> -> memref<1x457x64xf32, #tpu.memory_space<vmem>>
      %dma_start3A_407 = tpu.memref_squeeze %dma_start3A_406 : memref<1x457x64xf32, #tpu.memory_space<vmem>> -> memref<457x64xf32, #tpu.memory_space<vmem>>
      %dma_start3A_408 = arith.constant 0 : i32
      %dma_start3A_409 = arith.constant 0 : i32
      %dma_start3A_410 = tpu.memref_slice %arg6[%add3A_402, %dma_start3A_408, %dma_start3A_409] : memref<1024x457x64xf32, #tpu.memory_space<hbm>> -> memref<1x457x64xf32, #tpu.memory_space<hbm>>
      %dma_start3A_411 = tpu.memref_squeeze %dma_start3A_410 : memref<1x457x64xf32, #tpu.memory_space<hbm>> -> memref<457x64xf32, #tpu.memory_space<hbm>>
      %dma_start3A_412 = arith.constant 0 : i32
      %dma_start3A_413 = arith.constant 0 : i32
      %dma_start3A_414 = tpu.memref_slice %arg6[%add3A_402, %dma_start3A_412, %dma_start3A_413] : memref<1024x457x64xf32, #tpu.memory_space<hbm>> -> memref<1x457x64xf32, #tpu.memory_space<hbm>>
      %dma_start3A_415 = tpu.memref_squeeze %dma_start3A_414 : memref<1x457x64xf32, #tpu.memory_space<hbm>> -> memref<457x64xf32, #tpu.memory_space<hbm>>
      %dma_start3A_416 = arith.constant 0 : i32
      %dma_start3A_417 = arith.constant 0 : i32
      %dma_start3A_418 = tpu.memref_slice %arg9[%dma_start3A_403, %dma_start3A_416, %dma_start3A_417] : memref<2x457x64xf32, #tpu.memory_space<vmem>> -> memref<1x457x64xf32, #tpu.memory_space<vmem>>
      %dma_start3A_419 = tpu.memref_squeeze %dma_start3A_418 : memref<1x457x64xf32, #tpu.memory_space<vmem>> -> memref<457x64xf32, #tpu.memory_space<vmem>>
      tpu.enqueue_dma source(%dma_start3A_419 : memref<457x64xf32, #tpu.memory_space<vmem>>) target(%dma_start3A_415 : memref<457x64xf32, #tpu.memory_space<hbm>>) target_semaphore(%arg16 : memref<!tpu.dma_semaphore, #tpu.memory_space<semaphore_mem>>)
      %add3A_420 = arith.constant 2 : i32
      %add3A_421 = arith.addi %add3A_333, %add3A_420 : i32
      %lt3A = arith.constant 32 : i32
      %lt3A_422 = arith.cmpi slt, %add3A_421, %lt3A : i32
      %convert_element_type3A_423 = arith.extui %lt3A_422 : i1 to i32
      %cond3A_424 = arith.constant 0 : i32
      %cond3A_425 = arith.cmpi ne, %convert_element_type3A_423, %cond3A_424 : i32
      scf.if %cond3A_425 {
        %add3A_523 = arith.addi %mul3A_4, %add3A_333 : i32
        %add3A_524 = arith.constant 2 : i32
        %add3A_525 = arith.addi %add3A_523, %add3A_524 : i32
        %dma_start3A_526 = arith.constant 0 : i32
        %dma_start3A_527 = arith.constant 0 : i32
        %dma_start3A_528 = tpu.memref_slice %arg8[%dma_start3A_526, %dma_start3A_527] : memref<2x457xi32, #tpu.memory_space<vmem>> -> memref<1x457xi32, #tpu.memory_space<vmem>>
        %dma_start3A_529 = tpu.memref_squeeze %dma_start3A_528 : memref<1x457xi32, #tpu.memory_space<vmem>> -> memref<457xi32, #tpu.memory_space<vmem>>
        %dma_start3A_530 = arith.constant 0 : i32
        %dma_start3A_531 = tpu.memref_slice %arg4[%add3A_525, %dma_start3A_530] : memref<1024x457xi32, #tpu.memory_space<hbm>> -> memref<1x457xi32, #tpu.memory_space<hbm>>
        %dma_start3A_532 = tpu.memref_squeeze %dma_start3A_531 : memref<1x457xi32, #tpu.memory_space<hbm>> -> memref<457xi32, #tpu.memory_space<hbm>>
        %dma_start3A_533 = arith.constant 0 : i32
        %dma_start3A_534 = tpu.memref_slice %arg8[%dma_start3A_526, %dma_start3A_533] : memref<2x457xi32, #tpu.memory_space<vmem>> -> memref<1x457xi32, #tpu.memory_space<vmem>>
        %dma_start3A_535 = tpu.memref_squeeze %dma_start3A_534 : memref<1x457xi32, #tpu.memory_space<vmem>> -> memref<457xi32, #tpu.memory_space<vmem>>
        %dma_start3A_536 = arith.constant 0 : i32
        %dma_start3A_537 = tpu.memref_slice %arg4[%add3A_525, %dma_start3A_536] : memref<1024x457xi32, #tpu.memory_space<hbm>> -> memref<1x457xi32, #tpu.memory_space<hbm>>
        %dma_start3A_538 = tpu.memref_squeeze %dma_start3A_537 : memref<1x457xi32, #tpu.memory_space<hbm>> -> memref<457xi32, #tpu.memory_space<hbm>>
        tpu.enqueue_dma source(%dma_start3A_538 : memref<457xi32, #tpu.memory_space<hbm>>) target(%dma_start3A_535 : memref<457xi32, #tpu.memory_space<vmem>>) target_semaphore(%arg12 : memref<!tpu.dma_semaphore, #tpu.memory_space<semaphore_mem>>)
      } else {
      }
      %mul3A_426 = arith.constant 2 : i32
      %mul3A_427 = arith.muli %mul3A_426, %scan3A_148 : i32
      %add3A_428 = arith.constant 1 : i32
      %add3A_429 = arith.addi %mul3A_427, %add3A_428 : i32
      %dma_wait3A_430 = arith.constant 1 : i32
      %dma_wait3A_431 = arith.constant 1 : i32
      %dma_wait3A_432 = arith.constant 0 : i32
      %dma_wait3A_433 = arith.constant 0 : i32
      %dma_wait3A_434 = tpu.memref_slice %arg9[%dma_wait3A_431, %dma_wait3A_432, %dma_wait3A_433] : memref<2x457x64xf32, #tpu.memory_space<vmem>> -> memref<1x457x64xf32, #tpu.memory_space<vmem>>
      %dma_wait3A_435 = tpu.memref_squeeze %dma_wait3A_434 : memref<1x457x64xf32, #tpu.memory_space<vmem>> -> memref<457x64xf32, #tpu.memory_space<vmem>>
      %dma_wait3A_436 = arith.constant 0 : i32
      %dma_wait3A_437 = arith.constant 0 : i32
      %dma_wait3A_438 = tpu.memref_slice %dma_wait3A_435[%dma_wait3A_436, %dma_wait3A_437] : memref<457x64xf32, #tpu.memory_space<vmem>> -> memref<128x64xf32, #tpu.memory_space<vmem>>
      %dma_wait3A_439 = arith.constant 0 : i32
      %dma_wait3A_440 = tpu.memref_slice %arg8[%dma_wait3A_430, %dma_wait3A_439] : memref<2x457xi32, #tpu.memory_space<vmem>> -> memref<1x457xi32, #tpu.memory_space<vmem>>
      %dma_wait3A_441 = tpu.memref_squeeze %dma_wait3A_440 : memref<1x457xi32, #tpu.memory_space<vmem>> -> memref<457xi32, #tpu.memory_space<vmem>>
      %dma_wait3A_442 = arith.constant 0 : i32
      %dma_wait3A_443 = tpu.memref_slice %dma_wait3A_441[%dma_wait3A_442] : memref<457xi32, #tpu.memory_space<vmem>> -> memref<128xi32, #tpu.memory_space<vmem>>
      %dma_wait3A_444 = arith.constant 0 : i32
      %dma_wait3A_445 = arith.constant 0 : i32
      %dma_wait3A_446 = tpu.memref_slice %arg10[%dma_wait3A_444, %dma_wait3A_445] : memref<457x64xf32, #tpu.memory_space<vmem_shared>> -> memref<457x64xf32, #tpu.memory_space<vmem_shared>>
      tpu.wait_indirect_dma semaphore(%arg15 : memref<!tpu.dma_semaphore, #tpu.memory_space<semaphore_mem>>) src(%dma_wait3A_446 : memref<457x64xf32, #tpu.memory_space<vmem_shared>>) dst(%dma_wait3A_438 : memref<128x64xf32, #tpu.memory_space<vmem>>)
      %dma_wait3A_447 = arith.constant 1 : i32
      %dma_wait3A_448 = arith.constant 1 : i32
      %dma_wait3A_449 = arith.constant 0 : i32
      %dma_wait3A_450 = arith.constant 0 : i32
      %dma_wait3A_451 = tpu.memref_slice %arg9[%dma_wait3A_448, %dma_wait3A_449, %dma_wait3A_450] : memref<2x457x64xf32, #tpu.memory_space<vmem>> -> memref<1x457x64xf32, #tpu.memory_space<vmem>>
      %dma_wait3A_452 = tpu.memref_squeeze %dma_wait3A_451 : memref<1x457x64xf32, #tpu.memory_space<vmem>> -> memref<457x64xf32, #tpu.memory_space<vmem>>
      %dma_wait3A_453 = arith.constant 128 : i32
      %dma_wait3A_454 = arith.constant 0 : i32
      %dma_wait3A_455 = tpu.memref_slice %dma_wait3A_452[%dma_wait3A_453, %dma_wait3A_454] : memref<457x64xf32, #tpu.memory_space<vmem>> -> memref<128x64xf32, #tpu.memory_space<vmem>>
      %dma_wait3A_456 = arith.constant 0 : i32
      %dma_wait3A_457 = tpu.memref_slice %arg8[%dma_wait3A_447, %dma_wait3A_456] : memref<2x457xi32, #tpu.memory_space<vmem>> -> memref<1x457xi32, #tpu.memory_space<vmem>>
      %dma_wait3A_458 = tpu.memref_squeeze %dma_wait3A_457 : memref<1x457xi32, #tpu.memory_space<vmem>> -> memref<457xi32, #tpu.memory_space<vmem>>
      %dma_wait3A_459 = arith.constant 128 : i32
      %dma_wait3A_460 = tpu.memref_slice %dma_wait3A_458[%dma_wait3A_459] : memref<457xi32, #tpu.memory_space<vmem>> -> memref<128xi32, #tpu.memory_space<vmem>>
      %dma_wait3A_461 = arith.constant 0 : i32
      %dma_wait3A_462 = arith.constant 0 : i32
      %dma_wait3A_463 = tpu.memref_slice %arg10[%dma_wait3A_461, %dma_wait3A_462] : memref<457x64xf32, #tpu.memory_space<vmem_shared>> -> memref<457x64xf32, #tpu.memory_space<vmem_shared>>
      tpu.wait_indirect_dma semaphore(%arg15 : memref<!tpu.dma_semaphore, #tpu.memory_space<semaphore_mem>>) src(%dma_wait3A_463 : memref<457x64xf32, #tpu.memory_space<vmem_shared>>) dst(%dma_wait3A_455 : memref<128x64xf32, #tpu.memory_space<vmem>>)
      %dma_wait3A_464 = arith.constant 1 : i32
      %dma_wait3A_465 = arith.constant 1 : i32
      %dma_wait3A_466 = arith.constant 0 : i32
      %dma_wait3A_467 = arith.constant 0 : i32
      %dma_wait3A_468 = tpu.memref_slice %arg9[%dma_wait3A_465, %dma_wait3A_466, %dma_wait3A_467] : memref<2x457x64xf32, #tpu.memory_space<vmem>> -> memref<1x457x64xf32, #tpu.memory_space<vmem>>
      %dma_wait3A_469 = tpu.memref_squeeze %dma_wait3A_468 : memref<1x457x64xf32, #tpu.memory_space<vmem>> -> memref<457x64xf32, #tpu.memory_space<vmem>>
      %dma_wait3A_470 = arith.constant 256 : i32
      %dma_wait3A_471 = arith.constant 0 : i32
      %dma_wait3A_472 = tpu.memref_slice %dma_wait3A_469[%dma_wait3A_470, %dma_wait3A_471] : memref<457x64xf32, #tpu.memory_space<vmem>> -> memref<128x64xf32, #tpu.memory_space<vmem>>
      %dma_wait3A_473 = arith.constant 0 : i32
      %dma_wait3A_474 = tpu.memref_slice %arg8[%dma_wait3A_464, %dma_wait3A_473] : memref<2x457xi32, #tpu.memory_space<vmem>> -> memref<1x457xi32, #tpu.memory_space<vmem>>
      %dma_wait3A_475 = tpu.memref_squeeze %dma_wait3A_474 : memref<1x457xi32, #tpu.memory_space<vmem>> -> memref<457xi32, #tpu.memory_space<vmem>>
      %dma_wait3A_476 = arith.constant 256 : i32
      %dma_wait3A_477 = tpu.memref_slice %dma_wait3A_475[%dma_wait3A_476] : memref<457xi32, #tpu.memory_space<vmem>> -> memref<128xi32, #tpu.memory_space<vmem>>
      %dma_wait3A_478 = arith.constant 0 : i32
      %dma_wait3A_479 = arith.constant 0 : i32
      %dma_wait3A_480 = tpu.memref_slice %arg10[%dma_wait3A_478, %dma_wait3A_479] : memref<457x64xf32, #tpu.memory_space<vmem_shared>> -> memref<457x64xf32, #tpu.memory_space<vmem_shared>>
      tpu.wait_indirect_dma semaphore(%arg15 : memref<!tpu.dma_semaphore, #tpu.memory_space<semaphore_mem>>) src(%dma_wait3A_480 : memref<457x64xf32, #tpu.memory_space<vmem_shared>>) dst(%dma_wait3A_472 : memref<128x64xf32, #tpu.memory_space<vmem>>)
      %dma_wait3A_481 = arith.constant 1 : i32
      %dma_wait3A_482 = arith.constant 1 : i32
      %dma_wait3A_483 = arith.constant 0 : i32
      %dma_wait3A_484 = arith.constant 0 : i32
      %dma_wait3A_485 = tpu.memref_slice %arg9[%dma_wait3A_482, %dma_wait3A_483, %dma_wait3A_484] : memref<2x457x64xf32, #tpu.memory_space<vmem>> -> memref<1x457x64xf32, #tpu.memory_space<vmem>>
      %dma_wait3A_486 = tpu.memref_squeeze %dma_wait3A_485 : memref<1x457x64xf32, #tpu.memory_space<vmem>> -> memref<457x64xf32, #tpu.memory_space<vmem>>
      %dma_wait3A_487 = arith.constant 384 : i32
      %dma_wait3A_488 = arith.constant 0 : i32
      %dma_wait3A_489 = tpu.memref_slice %dma_wait3A_486[%dma_wait3A_487, %dma_wait3A_488] : memref<457x64xf32, #tpu.memory_space<vmem>> -> memref<73x64xf32, #tpu.memory_space<vmem>>
      %dma_wait3A_490 = arith.constant 0 : i32
      %dma_wait3A_491 = tpu.memref_slice %arg8[%dma_wait3A_481, %dma_wait3A_490] : memref<2x457xi32, #tpu.memory_space<vmem>> -> memref<1x457xi32, #tpu.memory_space<vmem>>
      %dma_wait3A_492 = tpu.memref_squeeze %dma_wait3A_491 : memref<1x457xi32, #tpu.memory_space<vmem>> -> memref<457xi32, #tpu.memory_space<vmem>>
      %dma_wait3A_493 = arith.constant 384 : i32
      %dma_wait3A_494 = tpu.memref_slice %dma_wait3A_492[%dma_wait3A_493] : memref<457xi32, #tpu.memory_space<vmem>> -> memref<73xi32, #tpu.memory_space<vmem>>
      %dma_wait3A_495 = arith.constant 0 : i32
      %dma_wait3A_496 = arith.constant 0 : i32
      %dma_wait3A_497 = tpu.memref_slice %arg10[%dma_wait3A_495, %dma_wait3A_496] : memref<457x64xf32, #tpu.memory_space<vmem_shared>> -> memref<457x64xf32, #tpu.memory_space<vmem_shared>>
      tpu.wait_indirect_dma semaphore(%arg15 : memref<!tpu.dma_semaphore, #tpu.memory_space<semaphore_mem>>) src(%dma_wait3A_497 : memref<457x64xf32, #tpu.memory_space<vmem_shared>>) dst(%dma_wait3A_489 : memref<73x64xf32, #tpu.memory_space<vmem>>)
      %add3A_498 = arith.addi %mul3A_4, %add3A_429 : i32
      %dma_start3A_499 = arith.constant 1 : i32
      %dma_start3A_500 = arith.constant 0 : i32
      %dma_start3A_501 = arith.constant 0 : i32
      %dma_start3A_502 = tpu.memref_slice %arg9[%dma_start3A_499, %dma_start3A_500, %dma_start3A_501] : memref<2x457x64xf32, #tpu.memory_space<vmem>> -> memref<1x457x64xf32, #tpu.memory_space<vmem>>
      %dma_start3A_503 = tpu.memref_squeeze %dma_start3A_502 : memref<1x457x64xf32, #tpu.memory_space<vmem>> -> memref<457x64xf32, #tpu.memory_space<vmem>>
      %dma_start3A_504 = arith.constant 0 : i32
      %dma_start3A_505 = arith.constant 0 : i32
      %dma_start3A_506 = tpu.memref_slice %arg6[%add3A_498, %dma_start3A_504, %dma_start3A_505] : memref<1024x457x64xf32, #tpu.memory_space<hbm>> -> memref<1x457x64xf32, #tpu.memory_space<hbm>>
      %dma_start3A_507 = tpu.memref_squeeze %dma_start3A_506 : memref<1x457x64xf32, #tpu.memory_space<hbm>> -> memref<457x64xf32, #tpu.memory_space<hbm>>
      %dma_start3A_508 = arith.constant 0 : i32
      %dma_start3A_509 = arith.constant 0 : i32
      %dma_start3A_510 = tpu.memref_slice %arg6[%add3A_498, %dma_start3A_508, %dma_start3A_509] : memref<1024x457x64xf32, #tpu.memory_space<hbm>> -> memref<1x457x64xf32, #tpu.memory_space<hbm>>
      %dma_start3A_511 = tpu.memref_squeeze %dma_start3A_510 : memref<1x457x64xf32, #tpu.memory_space<hbm>> -> memref<457x64xf32, #tpu.memory_space<hbm>>
      %dma_start3A_512 = arith.constant 0 : i32
      %dma_start3A_513 = arith.constant 0 : i32
      %dma_start3A_514 = tpu.memref_slice %arg9[%dma_start3A_499, %dma_start3A_512, %dma_start3A_513] : memref<2x457x64xf32, #tpu.memory_space<vmem>> -> memref<1x457x64xf32, #tpu.memory_space<vmem>>
      %dma_start3A_515 = tpu.memref_squeeze %dma_start3A_514 : memref<1x457x64xf32, #tpu.memory_space<vmem>> -> memref<457x64xf32, #tpu.memory_space<vmem>>
      tpu.enqueue_dma source(%dma_start3A_515 : memref<457x64xf32, #tpu.memory_space<vmem>>) target(%dma_start3A_511 : memref<457x64xf32, #tpu.memory_space<hbm>>) target_semaphore(%arg17 : memref<!tpu.dma_semaphore, #tpu.memory_space<semaphore_mem>>)
      %add3A_516 = arith.constant 2 : i32
      %add3A_517 = arith.addi %add3A_429, %add3A_516 : i32
      %lt3A_518 = arith.constant 32 : i32
      %lt3A_519 = arith.cmpi slt, %add3A_517, %lt3A_518 : i32
      %convert_element_type3A_520 = arith.extui %lt3A_519 : i1 to i32
      %cond3A_521 = arith.constant 0 : i32
      %cond3A_522 = arith.cmpi ne, %convert_element_type3A_520, %cond3A_521 : i32
      scf.if %cond3A_522 {
        %add3A_523 = arith.addi %mul3A_4, %add3A_429 : i32
        %add3A_524 = arith.constant 2 : i32
        %add3A_525 = arith.addi %add3A_523, %add3A_524 : i32
        %dma_start3A_526 = arith.constant 1 : i32
        %dma_start3A_527 = arith.constant 0 : i32
        %dma_start3A_528 = tpu.memref_slice %arg8[%dma_start3A_526, %dma_start3A_527] : memref<2x457xi32, #tpu.memory_space<vmem>> -> memref<1x457xi32, #tpu.memory_space<vmem>>
        %dma_start3A_529 = tpu.memref_squeeze %dma_start3A_528 : memref<1x457xi32, #tpu.memory_space<vmem>> -> memref<457xi32, #tpu.memory_space<vmem>>
        %dma_start3A_530 = arith.constant 0 : i32
        %dma_start3A_531 = tpu.memref_slice %arg4[%add3A_525, %dma_start3A_530] : memref<1024x457xi32, #tpu.memory_space<hbm>> -> memref<1x457xi32, #tpu.memory_space<hbm>>
        %dma_start3A_532 = tpu.memref_squeeze %dma_start3A_531 : memref<1x457xi32, #tpu.memory_space<hbm>> -> memref<457xi32, #tpu.memory_space<hbm>>
        %dma_start3A_533 = arith.constant 0 : i32
        %dma_start3A_534 = tpu.memref_slice %arg8[%dma_start3A_526, %dma_start3A_533] : memref<2x457xi32, #tpu.memory_space<vmem>> -> memref<1x457xi32, #tpu.memory_space<vmem>>
        %dma_start3A_535 = tpu.memref_squeeze %dma_start3A_534 : memref<1x457xi32, #tpu.memory_space<vmem>> -> memref<457xi32, #tpu.memory_space<vmem>>
        %dma_start3A_536 = arith.constant 0 : i32
        %dma_start3A_537 = tpu.memref_slice %arg4[%add3A_525, %dma_start3A_536] : memref<1024x457xi32, #tpu.memory_space<hbm>> -> memref<1x457xi32, #tpu.memory_space<hbm>>
        %dma_start3A_538 = tpu.memref_squeeze %dma_start3A_537 : memref<1x457xi32, #tpu.memory_space<hbm>> -> memref<457xi32, #tpu.memory_space<hbm>>
        tpu.enqueue_dma source(%dma_start3A_538 : memref<457xi32, #tpu.memory_space<hbm>>) target(%dma_start3A_535 : memref<457xi32, #tpu.memory_space<vmem>>) target_semaphore(%arg13 : memref<!tpu.dma_semaphore, #tpu.memory_space<semaphore_mem>>)
      } else {
      }
    }
    %scan3A_38 = arith.constant 16 : i32
    %dma_wait3A = arith.constant 0 : i32
    %dma_wait3A_39 = arith.constant 0 : i32
    %dma_wait3A_40 = arith.constant 0 : i32
    %dma_wait3A_41 = arith.constant 0 : i32
    %dma_wait3A_42 = tpu.memref_slice %arg9[%dma_wait3A, %dma_wait3A_40, %dma_wait3A_41] : memref<2x457x64xf32, #tpu.memory_space<vmem>> -> memref<1x457x64xf32, #tpu.memory_space<vmem>>
    %dma_wait3A_43 = tpu.memref_squeeze %dma_wait3A_42 : memref<1x457x64xf32, #tpu.memory_space<vmem>> -> memref<457x64xf32, #tpu.memory_space<vmem>>
    %dma_wait3A_44 = arith.constant 0 : i32
    %dma_wait3A_45 = arith.constant 0 : i32
    %dma_wait3A_46 = tpu.memref_slice %arg6[%dma_wait3A_39, %dma_wait3A_44, %dma_wait3A_45] : memref<1024x457x64xf32, #tpu.memory_space<hbm>> -> memref<1x457x64xf32, #tpu.memory_space<hbm>>
    %dma_wait3A_47 = tpu.memref_squeeze %dma_wait3A_46 : memref<1x457x64xf32, #tpu.memory_space<hbm>> -> memref<457x64xf32, #tpu.memory_space<hbm>>
    %dma_wait3A_48 = arith.constant 0 : i32
    %dma_wait3A_49 = arith.constant 0 : i32
    %dma_wait3A_50 = tpu.memref_slice %arg6[%dma_wait3A_39, %dma_wait3A_48, %dma_wait3A_49] : memref<1024x457x64xf32, #tpu.memory_space<hbm>> -> memref<1x457x64xf32, #tpu.memory_space<hbm>>
    %dma_wait3A_51 = tpu.memref_squeeze %dma_wait3A_50 : memref<1x457x64xf32, #tpu.memory_space<hbm>> -> memref<457x64xf32, #tpu.memory_space<hbm>>
    %dma_wait3A_52 = arith.constant 0 : i32
    %dma_wait3A_53 = arith.constant 0 : i32
    %dma_wait3A_54 = tpu.memref_slice %arg9[%dma_wait3A, %dma_wait3A_52, %dma_wait3A_53] : memref<2x457x64xf32, #tpu.memory_space<vmem>> -> memref<1x457x64xf32, #tpu.memory_space<vmem>>
    %dma_wait3A_55 = tpu.memref_squeeze %dma_wait3A_54 : memref<1x457x64xf32, #tpu.memory_space<vmem>> -> memref<457x64xf32, #tpu.memory_space<vmem>>
    tpu.wait_dma2 semaphore(%arg16 : memref<!tpu.dma_semaphore, #tpu.memory_space<semaphore_mem>>) src(%dma_wait3A_55 : memref<457x64xf32, #tpu.memory_space<vmem>>) dst(%dma_wait3A_51 : memref<457x64xf32, #tpu.memory_space<hbm>>)
    %dma_wait3A_56 = arith.constant 1 : i32
    %dma_wait3A_57 = arith.constant 0 : i32
    %dma_wait3A_58 = arith.constant 0 : i32
    %dma_wait3A_59 = arith.constant 0 : i32
    %dma_wait3A_60 = tpu.memref_slice %arg9[%dma_wait3A_56, %dma_wait3A_58, %dma_wait3A_59] : memref<2x457x64xf32, #tpu.memory_space<vmem>> -> memref<1x457x64xf32, #tpu.memory_space<vmem>>
    %dma_wait3A_61 = tpu.memref_squeeze %dma_wait3A_60 : memref<1x457x64xf32, #tpu.memory_space<vmem>> -> memref<457x64xf32, #tpu.memory_space<vmem>>
    %dma_wait3A_62 = arith.constant 0 : i32
    %dma_wait3A_63 = arith.constant 0 : i32
    %dma_wait3A_64 = tpu.memref_slice %arg6[%dma_wait3A_57, %dma_wait3A_62, %dma_wait3A_63] : memref<1024x457x64xf32, #tpu.memory_space<hbm>> -> memref<1x457x64xf32, #tpu.memory_space<hbm>>
    %dma_wait3A_65 = tpu.memref_squeeze %dma_wait3A_64 : memref<1x457x64xf32, #tpu.memory_space<hbm>> -> memref<457x64xf32, #tpu.memory_space<hbm>>
    %dma_wait3A_66 = arith.constant 0 : i32
    %dma_wait3A_67 = arith.constant 0 : i32
    %dma_wait3A_68 = tpu.memref_slice %arg6[%dma_wait3A_57, %dma_wait3A_66, %dma_wait3A_67] : memref<1024x457x64xf32, #tpu.memory_space<hbm>> -> memref<1x457x64xf32, #tpu.memory_space<hbm>>
    %dma_wait3A_69 = tpu.memref_squeeze %dma_wait3A_68 : memref<1x457x64xf32, #tpu.memory_space<hbm>> -> memref<457x64xf32, #tpu.memory_space<hbm>>
    %dma_wait3A_70 = arith.constant 0 : i32
    %dma_wait3A_71 = arith.constant 0 : i32
    %dma_wait3A_72 = tpu.memref_slice %arg9[%dma_wait3A_56, %dma_wait3A_70, %dma_wait3A_71] : memref<2x457x64xf32, #tpu.memory_space<vmem>> -> memref<1x457x64xf32, #tpu.memory_space<vmem>>
    %dma_wait3A_73 = tpu.memref_squeeze %dma_wait3A_72 : memref<1x457x64xf32, #tpu.memory_space<vmem>> -> memref<457x64xf32, #tpu.memory_space<vmem>>
    tpu.wait_dma2 semaphore(%arg17 : memref<!tpu.dma_semaphore, #tpu.memory_space<semaphore_mem>>) src(%dma_wait3A_73 : memref<457x64xf32, #tpu.memory_space<vmem>>) dst(%dma_wait3A_69 : memref<457x64xf32, #tpu.memory_space<hbm>>)
    %mul3A_74 = arith.constant 32 : i32
    %mul3A_75 = arith.muli %add3A, %mul3A_74 : i32
    %add3A_76 = arith.constant 0 : i32
    %add3A_77 = arith.addi %mul3A_75, %add3A_76 : i32
    %dma_start3A_78 = arith.constant 0 : i32
    %dma_start3A_79 = arith.constant 0 : i32
    %dma_start3A_80 = tpu.memref_slice %arg8[%dma_start3A_78, %dma_start3A_79] : memref<2x457xi32, #tpu.memory_space<vmem>> -> memref<1x457xi32, #tpu.memory_space<vmem>>
    %dma_start3A_81 = tpu.memref_squeeze %dma_start3A_80 : memref<1x457xi32, #tpu.memory_space<vmem>> -> memref<457xi32, #tpu.memory_space<vmem>>
    %dma_start3A_82 = arith.constant 0 : i32
    %dma_start3A_83 = tpu.memref_slice %arg5[%add3A_77, %dma_start3A_82] : memref<1024x457xi32, #tpu.memory_space<hbm>> -> memref<1x457xi32, #tpu.memory_space<hbm>>
    %dma_start3A_84 = tpu.memref_squeeze %dma_start3A_83 : memref<1x457xi32, #tpu.memory_space<hbm>> -> memref<457xi32, #tpu.memory_space<hbm>>
    %dma_start3A_85 = arith.constant 0 : i32
    %dma_start3A_86 = tpu.memref_slice %arg8[%dma_start3A_78, %dma_start3A_85] : memref<2x457xi32, #tpu.memory_space<vmem>> -> memref<1x457xi32, #tpu.memory_space<vmem>>
    %dma_start3A_87 = tpu.memref_squeeze %dma_start3A_86 : memref<1x457xi32, #tpu.memory_space<vmem>> -> memref<457xi32, #tpu.memory_space<vmem>>
    %dma_start3A_88 = arith.constant 0 : i32
    %dma_start3A_89 = tpu.memref_slice %arg5[%add3A_77, %dma_start3A_88] : memref<1024x457xi32, #tpu.memory_space<hbm>> -> memref<1x457xi32, #tpu.memory_space<hbm>>
    %dma_start3A_90 = tpu.memref_squeeze %dma_start3A_89 : memref<1x457xi32, #tpu.memory_space<hbm>> -> memref<457xi32, #tpu.memory_space<hbm>>
    tpu.enqueue_dma source(%dma_start3A_90 : memref<457xi32, #tpu.memory_space<hbm>>) target(%dma_start3A_87 : memref<457xi32, #tpu.memory_space<vmem>>) target_semaphore(%arg12 : memref<!tpu.dma_semaphore, #tpu.memory_space<semaphore_mem>>)
    %add3A_91 = arith.constant 1 : i32
    %add3A_92 = arith.addi %mul3A_75, %add3A_91 : i32
    %dma_start3A_93 = arith.constant 1 : i32
    %dma_start3A_94 = arith.constant 0 : i32
    %dma_start3A_95 = tpu.memref_slice %arg8[%dma_start3A_93, %dma_start3A_94] : memref<2x457xi32, #tpu.memory_space<vmem>> -> memref<1x457xi32, #tpu.memory_space<vmem>>
    %dma_start3A_96 = tpu.memref_squeeze %dma_start3A_95 : memref<1x457xi32, #tpu.memory_space<vmem>> -> memref<457xi32, #tpu.memory_space<vmem>>
    %dma_start3A_97 = arith.constant 0 : i32
    %dma_start3A_98 = tpu.memref_slice %arg5[%add3A_92, %dma_start3A_97] : memref<1024x457xi32, #tpu.memory_space<hbm>> -> memref<1x457xi32, #tpu.memory_space<hbm>>
    %dma_start3A_99 = tpu.memref_squeeze %dma_start3A_98 : memref<1x457xi32, #tpu.memory_space<hbm>> -> memref<457xi32, #tpu.memory_space<hbm>>
    %dma_start3A_100 = arith.constant 0 : i32
    %dma_start3A_101 = tpu.memref_slice %arg8[%dma_start3A_93, %dma_start3A_100] : memref<2x457xi32, #tpu.memory_space<vmem>> -> memref<1x457xi32, #tpu.memory_space<vmem>>
    %dma_start3A_102 = tpu.memref_squeeze %dma_start3A_101 : memref<1x457xi32, #tpu.memory_space<vmem>> -> memref<457xi32, #tpu.memory_space<vmem>>
    %dma_start3A_103 = arith.constant 0 : i32
    %dma_start3A_104 = tpu.memref_slice %arg5[%add3A_92, %dma_start3A_103] : memref<1024x457xi32, #tpu.memory_space<hbm>> -> memref<1x457xi32, #tpu.memory_space<hbm>>
    %dma_start3A_105 = tpu.memref_squeeze %dma_start3A_104 : memref<1x457xi32, #tpu.memory_space<hbm>> -> memref<457xi32, #tpu.memory_space<hbm>>
    tpu.enqueue_dma source(%dma_start3A_105 : memref<457xi32, #tpu.memory_space<hbm>>) target(%dma_start3A_102 : memref<457xi32, #tpu.memory_space<vmem>>) target_semaphore(%arg13 : memref<!tpu.dma_semaphore, #tpu.memory_space<semaphore_mem>>)
    %scan3A_106 = arith.constant 0 : i32
    %scan3A_107 = arith.constant 0 : i32
    %scan3A_108 = arith.constant 16 : i32
    %scan3A_109 = arith.addi %scan3A_107, %scan3A_108 : i32
    %scan3A_110 = arith.constant 1 : i32
    scf.for %scan3A_148 = %scan3A_107 to %scan3A_109 step %scan3A_110  : i32 {
      %mul3A_149 = arith.constant 2 : i32
      %mul3A_150 = arith.muli %mul3A_149, %scan3A_148 : i32
      %add3A_151 = arith.constant 0 : i32
      %add3A_152 = arith.addi %mul3A_150, %add3A_151 : i32
      %dma_wait3A_153 = arith.constant 0 : i32
      %dma_wait3A_154 = arith.constant 0 : i32
      %dma_wait3A_155 = arith.constant 0 : i32
      %dma_wait3A_156 = tpu.memref_slice %arg8[%dma_wait3A_154, %dma_wait3A_155] : memref<2x457xi32, #tpu.memory_space<vmem>> -> memref<1x457xi32, #tpu.memory_space<vmem>>
      %dma_wait3A_157 = tpu.memref_squeeze %dma_wait3A_156 : memref<1x457xi32, #tpu.memory_space<vmem>> -> memref<457xi32, #tpu.memory_space<vmem>>
      %dma_wait3A_158 = arith.constant 0 : i32
      %dma_wait3A_159 = tpu.memref_slice %arg5[%dma_wait3A_153, %dma_wait3A_158] : memref<1024x457xi32, #tpu.memory_space<hbm>> -> memref<1x457xi32, #tpu.memory_space<hbm>>
      %dma_wait3A_160 = tpu.memref_squeeze %dma_wait3A_159 : memref<1x457xi32, #tpu.memory_space<hbm>> -> memref<457xi32, #tpu.memory_space<hbm>>
      %dma_wait3A_161 = arith.constant 0 : i32
      %dma_wait3A_162 = tpu.memref_slice %arg8[%dma_wait3A_154, %dma_wait3A_161] : memref<2x457xi32, #tpu.memory_space<vmem>> -> memref<1x457xi32, #tpu.memory_space<vmem>>
      %dma_wait3A_163 = tpu.memref_squeeze %dma_wait3A_162 : memref<1x457xi32, #tpu.memory_space<vmem>> -> memref<457xi32, #tpu.memory_space<vmem>>
      %dma_wait3A_164 = arith.constant 0 : i32
      %dma_wait3A_165 = tpu.memref_slice %arg5[%dma_wait3A_153, %dma_wait3A_164] : memref<1024x457xi32, #tpu.memory_space<hbm>> -> memref<1x457xi32, #tpu.memory_space<hbm>>
      %dma_wait3A_166 = tpu.memref_squeeze %dma_wait3A_165 : memref<1x457xi32, #tpu.memory_space<hbm>> -> memref<457xi32, #tpu.memory_space<hbm>>
      tpu.wait_dma2 semaphore(%arg12 : memref<!tpu.dma_semaphore, #tpu.memory_space<semaphore_mem>>) src(%dma_wait3A_166 : memref<457xi32, #tpu.memory_space<hbm>>) dst(%dma_wait3A_163 : memref<457xi32, #tpu.memory_space<vmem>>)
      %ge3A = arith.constant 2 : i32
      %ge3A_167 = arith.cmpi sge, %add3A_152, %ge3A : i32
      %convert_element_type3A_168 = arith.extui %ge3A_167 : i1 to i32
      %cond3A_169 = arith.constant 0 : i32
      %cond3A_170 = arith.cmpi ne, %convert_element_type3A_168, %cond3A_169 : i32
      scf.if %cond3A_170 {
        %dma_wait3A_523 = arith.constant 0 : i32
        %dma_wait3A_524 = arith.constant 0 : i32
        %dma_wait3A_525 = arith.constant 0 : i32
        %dma_wait3A_526 = arith.constant 0 : i32
        %dma_wait3A_527 = tpu.memref_slice %arg9[%dma_wait3A_523, %dma_wait3A_525, %dma_wait3A_526] : memref<2x457x64xf32, #tpu.memory_space<vmem>> -> memref<1x457x64xf32, #tpu.memory_space<vmem>>
        %dma_wait3A_528 = tpu.memref_squeeze %dma_wait3A_527 : memref<1x457x64xf32, #tpu.memory_space<vmem>> -> memref<457x64xf32, #tpu.memory_space<vmem>>
        %dma_wait3A_529 = arith.constant 0 : i32
        %dma_wait3A_530 = arith.constant 0 : i32
        %dma_wait3A_531 = tpu.memref_slice %arg7[%dma_wait3A_524, %dma_wait3A_529, %dma_wait3A_530] : memref<1024x457x64xf32, #tpu.memory_space<hbm>> -> memref<1x457x64xf32, #tpu.memory_space<hbm>>
        %dma_wait3A_532 = tpu.memref_squeeze %dma_wait3A_531 : memref<1x457x64xf32, #tpu.memory_space<hbm>> -> memref<457x64xf32, #tpu.memory_space<hbm>>
        %dma_wait3A_533 = arith.constant 0 : i32
        %dma_wait3A_534 = arith.constant 0 : i32
        %dma_wait3A_535 = tpu.memref_slice %arg7[%dma_wait3A_524, %dma_wait3A_533, %dma_wait3A_534] : memref<1024x457x64xf32, #tpu.memory_space<hbm>> -> memref<1x457x64xf32, #tpu.memory_space<hbm>>
        %dma_wait3A_536 = tpu.memref_squeeze %dma_wait3A_535 : memref<1x457x64xf32, #tpu.memory_space<hbm>> -> memref<457x64xf32, #tpu.memory_space<hbm>>
        %dma_wait3A_537 = arith.constant 0 : i32
        %dma_wait3A_538 = arith.constant 0 : i32
        %dma_wait3A_539 = tpu.memref_slice %arg9[%dma_wait3A_523, %dma_wait3A_537, %dma_wait3A_538] : memref<2x457x64xf32, #tpu.memory_space<vmem>> -> memref<1x457x64xf32, #tpu.memory_space<vmem>>
        %dma_wait3A_540 = tpu.memref_squeeze %dma_wait3A_539 : memref<1x457x64xf32, #tpu.memory_space<vmem>> -> memref<457x64xf32, #tpu.memory_space<vmem>>
        tpu.wait_dma2 semaphore(%arg16 : memref<!tpu.dma_semaphore, #tpu.memory_space<semaphore_mem>>) src(%dma_wait3A_540 : memref<457x64xf32, #tpu.memory_space<vmem>>) dst(%dma_wait3A_536 : memref<457x64xf32, #tpu.memory_space<hbm>>)
      } else {
      }
      %dma_start3A_171 = arith.constant 0 : i32
      %dma_start3A_172 = arith.constant 0 : i32
      %dma_start3A_173 = arith.constant 0 : i32
      %dma_start3A_174 = arith.constant 0 : i32
      %dma_start3A_175 = tpu.memref_slice %arg9[%dma_start3A_172, %dma_start3A_173, %dma_start3A_174] : memref<2x457x64xf32, #tpu.memory_space<vmem>> -> memref<1x457x64xf32, #tpu.memory_space<vmem>>
      %dma_start3A_176 = tpu.memref_squeeze %dma_start3A_175 : memref<1x457x64xf32, #tpu.memory_space<vmem>> -> memref<457x64xf32, #tpu.memory_space<vmem>>
      %dma_start3A_177 = arith.constant 0 : i32
      %dma_start3A_178 = arith.constant 0 : i32
      %dma_start3A_179 = tpu.memref_slice %dma_start3A_176[%dma_start3A_177, %dma_start3A_178] : memref<457x64xf32, #tpu.memory_space<vmem>> -> memref<128x64xf32, #tpu.memory_space<vmem>>
      %dma_start3A_180 = arith.constant 0 : i32
      %dma_start3A_181 = tpu.memref_slice %arg8[%dma_start3A_171, %dma_start3A_180] : memref<2x457xi32, #tpu.memory_space<vmem>> -> memref<1x457xi32, #tpu.memory_space<vmem>>
      %dma_start3A_182 = tpu.memref_squeeze %dma_start3A_181 : memref<1x457xi32, #tpu.memory_space<vmem>> -> memref<457xi32, #tpu.memory_space<vmem>>
      %dma_start3A_183 = arith.constant 0 : i32
      %dma_start3A_184 = tpu.memref_slice %dma_start3A_182[%dma_start3A_183] : memref<457xi32, #tpu.memory_space<vmem>> -> memref<128xi32, #tpu.memory_space<vmem>>
      %dma_start3A_185 = arith.constant 0 : i32
      %dma_start3A_186 = arith.constant 0 : i32
      %dma_start3A_187 = tpu.memref_slice %arg11[%dma_start3A_185, %dma_start3A_186] : memref<457x64xf32, #tpu.memory_space<vmem_shared>> -> memref<457x64xf32, #tpu.memory_space<vmem_shared>>
      tpu.enqueue_indirect_dma source(%dma_start3A_187 : memref<457x64xf32, #tpu.memory_space<vmem_shared>>) target(%dma_start3A_179 : memref<128x64xf32, #tpu.memory_space<vmem>>) offsets(%dma_start3A_184 : memref<128xi32, #tpu.memory_space<vmem>>) semaphore(%arg14 : memref<!tpu.dma_semaphore, #tpu.memory_space<semaphore_mem>>)
      %dma_start3A_188 = arith.constant 0 : i32
      %dma_start3A_189 = arith.constant 0 : i32
      %dma_start3A_190 = arith.constant 0 : i32
      %dma_start3A_191 = arith.constant 0 : i32
      %dma_start3A_192 = tpu.memref_slice %arg9[%dma_start3A_189, %dma_start3A_190, %dma_start3A_191] : memref<2x457x64xf32, #tpu.memory_space<vmem>> -> memref<1x457x64xf32, #tpu.memory_space<vmem>>
      %dma_start3A_193 = tpu.memref_squeeze %dma_start3A_192 : memref<1x457x64xf32, #tpu.memory_space<vmem>> -> memref<457x64xf32, #tpu.memory_space<vmem>>
      %dma_start3A_194 = arith.constant 128 : i32
      %dma_start3A_195 = arith.constant 0 : i32
      %dma_start3A_196 = tpu.memref_slice %dma_start3A_193[%dma_start3A_194, %dma_start3A_195] : memref<457x64xf32, #tpu.memory_space<vmem>> -> memref<128x64xf32, #tpu.memory_space<vmem>>
      %dma_start3A_197 = arith.constant 0 : i32
      %dma_start3A_198 = tpu.memref_slice %arg8[%dma_start3A_188, %dma_start3A_197] : memref<2x457xi32, #tpu.memory_space<vmem>> -> memref<1x457xi32, #tpu.memory_space<vmem>>
      %dma_start3A_199 = tpu.memref_squeeze %dma_start3A_198 : memref<1x457xi32, #tpu.memory_space<vmem>> -> memref<457xi32, #tpu.memory_space<vmem>>
      %dma_start3A_200 = arith.constant 128 : i32
      %dma_start3A_201 = tpu.memref_slice %dma_start3A_199[%dma_start3A_200] : memref<457xi32, #tpu.memory_space<vmem>> -> memref<128xi32, #tpu.memory_space<vmem>>
      %dma_start3A_202 = arith.constant 0 : i32
      %dma_start3A_203 = arith.constant 0 : i32
      %dma_start3A_204 = tpu.memref_slice %arg11[%dma_start3A_202, %dma_start3A_203] : memref<457x64xf32, #tpu.memory_space<vmem_shared>> -> memref<457x64xf32, #tpu.memory_space<vmem_shared>>
      tpu.enqueue_indirect_dma source(%dma_start3A_204 : memref<457x64xf32, #tpu.memory_space<vmem_shared>>) target(%dma_start3A_196 : memref<128x64xf32, #tpu.memory_space<vmem>>) offsets(%dma_start3A_201 : memref<128xi32, #tpu.memory_space<vmem>>) semaphore(%arg14 : memref<!tpu.dma_semaphore, #tpu.memory_space<semaphore_mem>>)
      %dma_start3A_205 = arith.constant 0 : i32
      %dma_start3A_206 = arith.constant 0 : i32
      %dma_start3A_207 = arith.constant 0 : i32
      %dma_start3A_208 = arith.constant 0 : i32
      %dma_start3A_209 = tpu.memref_slice %arg9[%dma_start3A_206, %dma_start3A_207, %dma_start3A_208] : memref<2x457x64xf32, #tpu.memory_space<vmem>> -> memref<1x457x64xf32, #tpu.memory_space<vmem>>
      %dma_start3A_210 = tpu.memref_squeeze %dma_start3A_209 : memref<1x457x64xf32, #tpu.memory_space<vmem>> -> memref<457x64xf32, #tpu.memory_space<vmem>>
      %dma_start3A_211 = arith.constant 256 : i32
      %dma_start3A_212 = arith.constant 0 : i32
      %dma_start3A_213 = tpu.memref_slice %dma_start3A_210[%dma_start3A_211, %dma_start3A_212] : memref<457x64xf32, #tpu.memory_space<vmem>> -> memref<128x64xf32, #tpu.memory_space<vmem>>
      %dma_start3A_214 = arith.constant 0 : i32
      %dma_start3A_215 = tpu.memref_slice %arg8[%dma_start3A_205, %dma_start3A_214] : memref<2x457xi32, #tpu.memory_space<vmem>> -> memref<1x457xi32, #tpu.memory_space<vmem>>
      %dma_start3A_216 = tpu.memref_squeeze %dma_start3A_215 : memref<1x457xi32, #tpu.memory_space<vmem>> -> memref<457xi32, #tpu.memory_space<vmem>>
      %dma_start3A_217 = arith.constant 256 : i32
      %dma_start3A_218 = tpu.memref_slice %dma_start3A_216[%dma_start3A_217] : memref<457xi32, #tpu.memory_space<vmem>> -> memref<128xi32, #tpu.memory_space<vmem>>
      %dma_start3A_219 = arith.constant 0 : i32
      %dma_start3A_220 = arith.constant 0 : i32
      %dma_start3A_221 = tpu.memref_slice %arg11[%dma_start3A_219, %dma_start3A_220] : memref<457x64xf32, #tpu.memory_space<vmem_shared>> -> memref<457x64xf32, #tpu.memory_space<vmem_shared>>
      tpu.enqueue_indirect_dma source(%dma_start3A_221 : memref<457x64xf32, #tpu.memory_space<vmem_shared>>) target(%dma_start3A_213 : memref<128x64xf32, #tpu.memory_space<vmem>>) offsets(%dma_start3A_218 : memref<128xi32, #tpu.memory_space<vmem>>) semaphore(%arg14 : memref<!tpu.dma_semaphore, #tpu.memory_space<semaphore_mem>>)
      %dma_start3A_222 = arith.constant 0 : i32
      %dma_start3A_223 = arith.constant 0 : i32
      %dma_start3A_224 = arith.constant 0 : i32
      %dma_start3A_225 = arith.constant 0 : i32
      %dma_start3A_226 = tpu.memref_slice %arg9[%dma_start3A_223, %dma_start3A_224, %dma_start3A_225] : memref<2x457x64xf32, #tpu.memory_space<vmem>> -> memref<1x457x64xf32, #tpu.memory_space<vmem>>
      %dma_start3A_227 = tpu.memref_squeeze %dma_start3A_226 : memref<1x457x64xf32, #tpu.memory_space<vmem>> -> memref<457x64xf32, #tpu.memory_space<vmem>>
      %dma_start3A_228 = arith.constant 384 : i32
      %dma_start3A_229 = arith.constant 0 : i32
      %dma_start3A_230 = tpu.memref_slice %dma_start3A_227[%dma_start3A_228, %dma_start3A_229] : memref<457x64xf32, #tpu.memory_space<vmem>> -> memref<73x64xf32, #tpu.memory_space<vmem>>
      %dma_start3A_231 = arith.constant 0 : i32
      %dma_start3A_232 = tpu.memref_slice %arg8[%dma_start3A_222, %dma_start3A_231] : memref<2x457xi32, #tpu.memory_space<vmem>> -> memref<1x457xi32, #tpu.memory_space<vmem>>
      %dma_start3A_233 = tpu.memref_squeeze %dma_start3A_232 : memref<1x457xi32, #tpu.memory_space<vmem>> -> memref<457xi32, #tpu.memory_space<vmem>>
      %dma_start3A_234 = arith.constant 384 : i32
      %dma_start3A_235 = tpu.memref_slice %dma_start3A_233[%dma_start3A_234] : memref<457xi32, #tpu.memory_space<vmem>> -> memref<73xi32, #tpu.memory_space<vmem>>
      %dma_start3A_236 = arith.constant 0 : i32
      %dma_start3A_237 = arith.constant 0 : i32
      %dma_start3A_238 = tpu.memref_slice %arg11[%dma_start3A_236, %dma_start3A_237] : memref<457x64xf32, #tpu.memory_space<vmem_shared>> -> memref<457x64xf32, #tpu.memory_space<vmem_shared>>
      tpu.enqueue_indirect_dma source(%dma_start3A_238 : memref<457x64xf32, #tpu.memory_space<vmem_shared>>) target(%dma_start3A_230 : memref<73x64xf32, #tpu.memory_space<vmem>>) offsets(%dma_start3A_235 : memref<73xi32, #tpu.memory_space<vmem>>) semaphore(%arg14 : memref<!tpu.dma_semaphore, #tpu.memory_space<semaphore_mem>>)
      %mul3A_239 = arith.constant 2 : i32
      %mul3A_240 = arith.muli %mul3A_239, %scan3A_148 : i32
      %add3A_241 = arith.constant 1 : i32
      %add3A_242 = arith.addi %mul3A_240, %add3A_241 : i32
      %dma_wait3A_243 = arith.constant 0 : i32
      %dma_wait3A_244 = arith.constant 1 : i32
      %dma_wait3A_245 = arith.constant 0 : i32
      %dma_wait3A_246 = tpu.memref_slice %arg8[%dma_wait3A_244, %dma_wait3A_245] : memref<2x457xi32, #tpu.memory_space<vmem>> -> memref<1x457xi32, #tpu.memory_space<vmem>>
      %dma_wait3A_247 = tpu.memref_squeeze %dma_wait3A_246 : memref<1x457xi32, #tpu.memory_space<vmem>> -> memref<457xi32, #tpu.memory_space<vmem>>
      %dma_wait3A_248 = arith.constant 0 : i32
      %dma_wait3A_249 = tpu.memref_slice %arg5[%dma_wait3A_243, %dma_wait3A_248] : memref<1024x457xi32, #tpu.memory_space<hbm>> -> memref<1x457xi32, #tpu.memory_space<hbm>>
      %dma_wait3A_250 = tpu.memref_squeeze %dma_wait3A_249 : memref<1x457xi32, #tpu.memory_space<hbm>> -> memref<457xi32, #tpu.memory_space<hbm>>
      %dma_wait3A_251 = arith.constant 0 : i32
      %dma_wait3A_252 = tpu.memref_slice %arg8[%dma_wait3A_244, %dma_wait3A_251] : memref<2x457xi32, #tpu.memory_space<vmem>> -> memref<1x457xi32, #tpu.memory_space<vmem>>
      %dma_wait3A_253 = tpu.memref_squeeze %dma_wait3A_252 : memref<1x457xi32, #tpu.memory_space<vmem>> -> memref<457xi32, #tpu.memory_space<vmem>>
      %dma_wait3A_254 = arith.constant 0 : i32
      %dma_wait3A_255 = tpu.memref_slice %arg5[%dma_wait3A_243, %dma_wait3A_254] : memref<1024x457xi32, #tpu.memory_space<hbm>> -> memref<1x457xi32, #tpu.memory_space<hbm>>
      %dma_wait3A_256 = tpu.memref_squeeze %dma_wait3A_255 : memref<1x457xi32, #tpu.memory_space<hbm>> -> memref<457xi32, #tpu.memory_space<hbm>>
      tpu.wait_dma2 semaphore(%arg13 : memref<!tpu.dma_semaphore, #tpu.memory_space<semaphore_mem>>) src(%dma_wait3A_256 : memref<457xi32, #tpu.memory_space<hbm>>) dst(%dma_wait3A_253 : memref<457xi32, #tpu.memory_space<vmem>>)
      %ge3A_257 = arith.constant 2 : i32
      %ge3A_258 = arith.cmpi sge, %add3A_242, %ge3A_257 : i32
      %convert_element_type3A_259 = arith.extui %ge3A_258 : i1 to i32
      %cond3A_260 = arith.constant 0 : i32
      %cond3A_261 = arith.cmpi ne, %convert_element_type3A_259, %cond3A_260 : i32
      scf.if %cond3A_261 {
        %dma_wait3A_523 = arith.constant 1 : i32
        %dma_wait3A_524 = arith.constant 0 : i32
        %dma_wait3A_525 = arith.constant 0 : i32
        %dma_wait3A_526 = arith.constant 0 : i32
        %dma_wait3A_527 = tpu.memref_slice %arg9[%dma_wait3A_523, %dma_wait3A_525, %dma_wait3A_526] : memref<2x457x64xf32, #tpu.memory_space<vmem>> -> memref<1x457x64xf32, #tpu.memory_space<vmem>>
        %dma_wait3A_528 = tpu.memref_squeeze %dma_wait3A_527 : memref<1x457x64xf32, #tpu.memory_space<vmem>> -> memref<457x64xf32, #tpu.memory_space<vmem>>
        %dma_wait3A_529 = arith.constant 0 : i32
        %dma_wait3A_530 = arith.constant 0 : i32
        %dma_wait3A_531 = tpu.memref_slice %arg7[%dma_wait3A_524, %dma_wait3A_529, %dma_wait3A_530] : memref<1024x457x64xf32, #tpu.memory_space<hbm>> -> memref<1x457x64xf32, #tpu.memory_space<hbm>>
        %dma_wait3A_532 = tpu.memref_squeeze %dma_wait3A_531 : memref<1x457x64xf32, #tpu.memory_space<hbm>> -> memref<457x64xf32, #tpu.memory_space<hbm>>
        %dma_wait3A_533 = arith.constant 0 : i32
        %dma_wait3A_534 = arith.constant 0 : i32
        %dma_wait3A_535 = tpu.memref_slice %arg7[%dma_wait3A_524, %dma_wait3A_533, %dma_wait3A_534] : memref<1024x457x64xf32, #tpu.memory_space<hbm>> -> memref<1x457x64xf32, #tpu.memory_space<hbm>>
        %dma_wait3A_536 = tpu.memref_squeeze %dma_wait3A_535 : memref<1x457x64xf32, #tpu.memory_space<hbm>> -> memref<457x64xf32, #tpu.memory_space<hbm>>
        %dma_wait3A_537 = arith.constant 0 : i32
        %dma_wait3A_538 = arith.constant 0 : i32
        %dma_wait3A_539 = tpu.memref_slice %arg9[%dma_wait3A_523, %dma_wait3A_537, %dma_wait3A_538] : memref<2x457x64xf32, #tpu.memory_space<vmem>> -> memref<1x457x64xf32, #tpu.memory_space<vmem>>
        %dma_wait3A_540 = tpu.memref_squeeze %dma_wait3A_539 : memref<1x457x64xf32, #tpu.memory_space<vmem>> -> memref<457x64xf32, #tpu.memory_space<vmem>>
        tpu.wait_dma2 semaphore(%arg17 : memref<!tpu.dma_semaphore, #tpu.memory_space<semaphore_mem>>) src(%dma_wait3A_540 : memref<457x64xf32, #tpu.memory_space<vmem>>) dst(%dma_wait3A_536 : memref<457x64xf32, #tpu.memory_space<hbm>>)
      } else {
      }
      %dma_start3A_262 = arith.constant 1 : i32
      %dma_start3A_263 = arith.constant 1 : i32
      %dma_start3A_264 = arith.constant 0 : i32
      %dma_start3A_265 = arith.constant 0 : i32
      %dma_start3A_266 = tpu.memref_slice %arg9[%dma_start3A_263, %dma_start3A_264, %dma_start3A_265] : memref<2x457x64xf32, #tpu.memory_space<vmem>> -> memref<1x457x64xf32, #tpu.memory_space<vmem>>
      %dma_start3A_267 = tpu.memref_squeeze %dma_start3A_266 : memref<1x457x64xf32, #tpu.memory_space<vmem>> -> memref<457x64xf32, #tpu.memory_space<vmem>>
      %dma_start3A_268 = arith.constant 0 : i32
      %dma_start3A_269 = arith.constant 0 : i32
      %dma_start3A_270 = tpu.memref_slice %dma_start3A_267[%dma_start3A_268, %dma_start3A_269] : memref<457x64xf32, #tpu.memory_space<vmem>> -> memref<128x64xf32, #tpu.memory_space<vmem>>
      %dma_start3A_271 = arith.constant 0 : i32
      %dma_start3A_272 = tpu.memref_slice %arg8[%dma_start3A_262, %dma_start3A_271] : memref<2x457xi32, #tpu.memory_space<vmem>> -> memref<1x457xi32, #tpu.memory_space<vmem>>
      %dma_start3A_273 = tpu.memref_squeeze %dma_start3A_272 : memref<1x457xi32, #tpu.memory_space<vmem>> -> memref<457xi32, #tpu.memory_space<vmem>>
      %dma_start3A_274 = arith.constant 0 : i32
      %dma_start3A_275 = tpu.memref_slice %dma_start3A_273[%dma_start3A_274] : memref<457xi32, #tpu.memory_space<vmem>> -> memref<128xi32, #tpu.memory_space<vmem>>
      %dma_start3A_276 = arith.constant 0 : i32
      %dma_start3A_277 = arith.constant 0 : i32
      %dma_start3A_278 = tpu.memref_slice %arg11[%dma_start3A_276, %dma_start3A_277] : memref<457x64xf32, #tpu.memory_space<vmem_shared>> -> memref<457x64xf32, #tpu.memory_space<vmem_shared>>
      tpu.enqueue_indirect_dma source(%dma_start3A_278 : memref<457x64xf32, #tpu.memory_space<vmem_shared>>) target(%dma_start3A_270 : memref<128x64xf32, #tpu.memory_space<vmem>>) offsets(%dma_start3A_275 : memref<128xi32, #tpu.memory_space<vmem>>) semaphore(%arg15 : memref<!tpu.dma_semaphore, #tpu.memory_space<semaphore_mem>>)
      %dma_start3A_279 = arith.constant 1 : i32
      %dma_start3A_280 = arith.constant 1 : i32
      %dma_start3A_281 = arith.constant 0 : i32
      %dma_start3A_282 = arith.constant 0 : i32
      %dma_start3A_283 = tpu.memref_slice %arg9[%dma_start3A_280, %dma_start3A_281, %dma_start3A_282] : memref<2x457x64xf32, #tpu.memory_space<vmem>> -> memref<1x457x64xf32, #tpu.memory_space<vmem>>
      %dma_start3A_284 = tpu.memref_squeeze %dma_start3A_283 : memref<1x457x64xf32, #tpu.memory_space<vmem>> -> memref<457x64xf32, #tpu.memory_space<vmem>>
      %dma_start3A_285 = arith.constant 128 : i32
      %dma_start3A_286 = arith.constant 0 : i32
      %dma_start3A_287 = tpu.memref_slice %dma_start3A_284[%dma_start3A_285, %dma_start3A_286] : memref<457x64xf32, #tpu.memory_space<vmem>> -> memref<128x64xf32, #tpu.memory_space<vmem>>
      %dma_start3A_288 = arith.constant 0 : i32
      %dma_start3A_289 = tpu.memref_slice %arg8[%dma_start3A_279, %dma_start3A_288] : memref<2x457xi32, #tpu.memory_space<vmem>> -> memref<1x457xi32, #tpu.memory_space<vmem>>
      %dma_start3A_290 = tpu.memref_squeeze %dma_start3A_289 : memref<1x457xi32, #tpu.memory_space<vmem>> -> memref<457xi32, #tpu.memory_space<vmem>>
      %dma_start3A_291 = arith.constant 128 : i32
      %dma_start3A_292 = tpu.memref_slice %dma_start3A_290[%dma_start3A_291] : memref<457xi32, #tpu.memory_space<vmem>> -> memref<128xi32, #tpu.memory_space<vmem>>
      %dma_start3A_293 = arith.constant 0 : i32
      %dma_start3A_294 = arith.constant 0 : i32
      %dma_start3A_295 = tpu.memref_slice %arg11[%dma_start3A_293, %dma_start3A_294] : memref<457x64xf32, #tpu.memory_space<vmem_shared>> -> memref<457x64xf32, #tpu.memory_space<vmem_shared>>
      tpu.enqueue_indirect_dma source(%dma_start3A_295 : memref<457x64xf32, #tpu.memory_space<vmem_shared>>) target(%dma_start3A_287 : memref<128x64xf32, #tpu.memory_space<vmem>>) offsets(%dma_start3A_292 : memref<128xi32, #tpu.memory_space<vmem>>) semaphore(%arg15 : memref<!tpu.dma_semaphore, #tpu.memory_space<semaphore_mem>>)
      %dma_start3A_296 = arith.constant 1 : i32
      %dma_start3A_297 = arith.constant 1 : i32
      %dma_start3A_298 = arith.constant 0 : i32
      %dma_start3A_299 = arith.constant 0 : i32
      %dma_start3A_300 = tpu.memref_slice %arg9[%dma_start3A_297, %dma_start3A_298, %dma_start3A_299] : memref<2x457x64xf32, #tpu.memory_space<vmem>> -> memref<1x457x64xf32, #tpu.memory_space<vmem>>
      %dma_start3A_301 = tpu.memref_squeeze %dma_start3A_300 : memref<1x457x64xf32, #tpu.memory_space<vmem>> -> memref<457x64xf32, #tpu.memory_space<vmem>>
      %dma_start3A_302 = arith.constant 256 : i32
      %dma_start3A_303 = arith.constant 0 : i32
      %dma_start3A_304 = tpu.memref_slice %dma_start3A_301[%dma_start3A_302, %dma_start3A_303] : memref<457x64xf32, #tpu.memory_space<vmem>> -> memref<128x64xf32, #tpu.memory_space<vmem>>
      %dma_start3A_305 = arith.constant 0 : i32
      %dma_start3A_306 = tpu.memref_slice %arg8[%dma_start3A_296, %dma_start3A_305] : memref<2x457xi32, #tpu.memory_space<vmem>> -> memref<1x457xi32, #tpu.memory_space<vmem>>
      %dma_start3A_307 = tpu.memref_squeeze %dma_start3A_306 : memref<1x457xi32, #tpu.memory_space<vmem>> -> memref<457xi32, #tpu.memory_space<vmem>>
      %dma_start3A_308 = arith.constant 256 : i32
      %dma_start3A_309 = tpu.memref_slice %dma_start3A_307[%dma_start3A_308] : memref<457xi32, #tpu.memory_space<vmem>> -> memref<128xi32, #tpu.memory_space<vmem>>
      %dma_start3A_310 = arith.constant 0 : i32
      %dma_start3A_311 = arith.constant 0 : i32
      %dma_start3A_312 = tpu.memref_slice %arg11[%dma_start3A_310, %dma_start3A_311] : memref<457x64xf32, #tpu.memory_space<vmem_shared>> -> memref<457x64xf32, #tpu.memory_space<vmem_shared>>
      tpu.enqueue_indirect_dma source(%dma_start3A_312 : memref<457x64xf32, #tpu.memory_space<vmem_shared>>) target(%dma_start3A_304 : memref<128x64xf32, #tpu.memory_space<vmem>>) offsets(%dma_start3A_309 : memref<128xi32, #tpu.memory_space<vmem>>) semaphore(%arg15 : memref<!tpu.dma_semaphore, #tpu.memory_space<semaphore_mem>>)
      %dma_start3A_313 = arith.constant 1 : i32
      %dma_start3A_314 = arith.constant 1 : i32
      %dma_start3A_315 = arith.constant 0 : i32
      %dma_start3A_316 = arith.constant 0 : i32
      %dma_start3A_317 = tpu.memref_slice %arg9[%dma_start3A_314, %dma_start3A_315, %dma_start3A_316] : memref<2x457x64xf32, #tpu.memory_space<vmem>> -> memref<1x457x64xf32, #tpu.memory_space<vmem>>
      %dma_start3A_318 = tpu.memref_squeeze %dma_start3A_317 : memref<1x457x64xf32, #tpu.memory_space<vmem>> -> memref<457x64xf32, #tpu.memory_space<vmem>>
      %dma_start3A_319 = arith.constant 384 : i32
      %dma_start3A_320 = arith.constant 0 : i32
      %dma_start3A_321 = tpu.memref_slice %dma_start3A_318[%dma_start3A_319, %dma_start3A_320] : memref<457x64xf32, #tpu.memory_space<vmem>> -> memref<73x64xf32, #tpu.memory_space<vmem>>
      %dma_start3A_322 = arith.constant 0 : i32
      %dma_start3A_323 = tpu.memref_slice %arg8[%dma_start3A_313, %dma_start3A_322] : memref<2x457xi32, #tpu.memory_space<vmem>> -> memref<1x457xi32, #tpu.memory_space<vmem>>
      %dma_start3A_324 = tpu.memref_squeeze %dma_start3A_323 : memref<1x457xi32, #tpu.memory_space<vmem>> -> memref<457xi32, #tpu.memory_space<vmem>>
      %dma_start3A_325 = arith.constant 384 : i32
      %dma_start3A_326 = tpu.memref_slice %dma_start3A_324[%dma_start3A_325] : memref<457xi32, #tpu.memory_space<vmem>> -> memref<73xi32, #tpu.memory_space<vmem>>
      %dma_start3A_327 = arith.constant 0 : i32
      %dma_start3A_328 = arith.constant 0 : i32
      %dma_start3A_329 = tpu.memref_slice %arg11[%dma_start3A_327, %dma_start3A_328] : memref<457x64xf32, #tpu.memory_space<vmem_shared>> -> memref<457x64xf32, #tpu.memory_space<vmem_shared>>
      tpu.enqueue_indirect_dma source(%dma_start3A_329 : memref<457x64xf32, #tpu.memory_space<vmem_shared>>) target(%dma_start3A_321 : memref<73x64xf32, #tpu.memory_space<vmem>>) offsets(%dma_start3A_326 : memref<73xi32, #tpu.memory_space<vmem>>) semaphore(%arg15 : memref<!tpu.dma_semaphore, #tpu.memory_space<semaphore_mem>>)
      %mul3A_330 = arith.constant 2 : i32
      %mul3A_331 = arith.muli %mul3A_330, %scan3A_148 : i32
      %add3A_332 = arith.constant 0 : i32
      %add3A_333 = arith.addi %mul3A_331, %add3A_332 : i32
      %dma_wait3A_334 = arith.constant 0 : i32
      %dma_wait3A_335 = arith.constant 0 : i32
      %dma_wait3A_336 = arith.constant 0 : i32
      %dma_wait3A_337 = arith.constant 0 : i32
      %dma_wait3A_338 = tpu.memref_slice %arg9[%dma_wait3A_335, %dma_wait3A_336, %dma_wait3A_337] : memref<2x457x64xf32, #tpu.memory_space<vmem>> -> memref<1x457x64xf32, #tpu.memory_space<vmem>>
      %dma_wait3A_339 = tpu.memref_squeeze %dma_wait3A_338 : memref<1x457x64xf32, #tpu.memory_space<vmem>> -> memref<457x64xf32, #tpu.memory_space<vmem>>
      %dma_wait3A_340 = arith.constant 0 : i32
      %dma_wait3A_341 = arith.constant 0 : i32
      %dma_wait3A_342 = tpu.memref_slice %dma_wait3A_339[%dma_wait3A_340, %dma_wait3A_341] : memref<457x64xf32, #tpu.memory_space<vmem>> -> memref<128x64xf32, #tpu.memory_space<vmem>>
      %dma_wait3A_343 = arith.constant 0 : i32
      %dma_wait3A_344 = tpu.memref_slice %arg8[%dma_wait3A_334, %dma_wait3A_343] : memref<2x457xi32, #tpu.memory_space<vmem>> -> memref<1x457xi32, #tpu.memory_space<vmem>>
      %dma_wait3A_345 = tpu.memref_squeeze %dma_wait3A_344 : memref<1x457xi32, #tpu.memory_space<vmem>> -> memref<457xi32, #tpu.memory_space<vmem>>
      %dma_wait3A_346 = arith.constant 0 : i32
      %dma_wait3A_347 = tpu.memref_slice %dma_wait3A_345[%dma_wait3A_346] : memref<457xi32, #tpu.memory_space<vmem>> -> memref<128xi32, #tpu.memory_space<vmem>>
      %dma_wait3A_348 = arith.constant 0 : i32
      %dma_wait3A_349 = arith.constant 0 : i32
      %dma_wait3A_350 = tpu.memref_slice %arg11[%dma_wait3A_348, %dma_wait3A_349] : memref<457x64xf32, #tpu.memory_space<vmem_shared>> -> memref<457x64xf32, #tpu.memory_space<vmem_shared>>
      tpu.wait_indirect_dma semaphore(%arg14 : memref<!tpu.dma_semaphore, #tpu.memory_space<semaphore_mem>>) src(%dma_wait3A_350 : memref<457x64xf32, #tpu.memory_space<vmem_shared>>) dst(%dma_wait3A_342 : memref<128x64xf32, #tpu.memory_space<vmem>>)
      %dma_wait3A_351 = arith.constant 0 : i32
      %dma_wait3A_352 = arith.constant 0 : i32
      %dma_wait3A_353 = arith.constant 0 : i32
      %dma_wait3A_354 = arith.constant 0 : i32
      %dma_wait3A_355 = tpu.memref_slice %arg9[%dma_wait3A_352, %dma_wait3A_353, %dma_wait3A_354] : memref<2x457x64xf32, #tpu.memory_space<vmem>> -> memref<1x457x64xf32, #tpu.memory_space<vmem>>
      %dma_wait3A_356 = tpu.memref_squeeze %dma_wait3A_355 : memref<1x457x64xf32, #tpu.memory_space<vmem>> -> memref<457x64xf32, #tpu.memory_space<vmem>>
      %dma_wait3A_357 = arith.constant 128 : i32
      %dma_wait3A_358 = arith.constant 0 : i32
      %dma_wait3A_359 = tpu.memref_slice %dma_wait3A_356[%dma_wait3A_357, %dma_wait3A_358] : memref<457x64xf32, #tpu.memory_space<vmem>> -> memref<128x64xf32, #tpu.memory_space<vmem>>
      %dma_wait3A_360 = arith.constant 0 : i32
      %dma_wait3A_361 = tpu.memref_slice %arg8[%dma_wait3A_351, %dma_wait3A_360] : memref<2x457xi32, #tpu.memory_space<vmem>> -> memref<1x457xi32, #tpu.memory_space<vmem>>
      %dma_wait3A_362 = tpu.memref_squeeze %dma_wait3A_361 : memref<1x457xi32, #tpu.memory_space<vmem>> -> memref<457xi32, #tpu.memory_space<vmem>>
      %dma_wait3A_363 = arith.constant 128 : i32
      %dma_wait3A_364 = tpu.memref_slice %dma_wait3A_362[%dma_wait3A_363] : memref<457xi32, #tpu.memory_space<vmem>> -> memref<128xi32, #tpu.memory_space<vmem>>
      %dma_wait3A_365 = arith.constant 0 : i32
      %dma_wait3A_366 = arith.constant 0 : i32
      %dma_wait3A_367 = tpu.memref_slice %arg11[%dma_wait3A_365, %dma_wait3A_366] : memref<457x64xf32, #tpu.memory_space<vmem_shared>> -> memref<457x64xf32, #tpu.memory_space<vmem_shared>>
      tpu.wait_indirect_dma semaphore(%arg14 : memref<!tpu.dma_semaphore, #tpu.memory_space<semaphore_mem>>) src(%dma_wait3A_367 : memref<457x64xf32, #tpu.memory_space<vmem_shared>>) dst(%dma_wait3A_359 : memref<128x64xf32, #tpu.memory_space<vmem>>)
      %dma_wait3A_368 = arith.constant 0 : i32
      %dma_wait3A_369 = arith.constant 0 : i32
      %dma_wait3A_370 = arith.constant 0 : i32
      %dma_wait3A_371 = arith.constant 0 : i32
      %dma_wait3A_372 = tpu.memref_slice %arg9[%dma_wait3A_369, %dma_wait3A_370, %dma_wait3A_371] : memref<2x457x64xf32, #tpu.memory_space<vmem>> -> memref<1x457x64xf32, #tpu.memory_space<vmem>>
      %dma_wait3A_373 = tpu.memref_squeeze %dma_wait3A_372 : memref<1x457x64xf32, #tpu.memory_space<vmem>> -> memref<457x64xf32, #tpu.memory_space<vmem>>
      %dma_wait3A_374 = arith.constant 256 : i32
      %dma_wait3A_375 = arith.constant 0 : i32
      %dma_wait3A_376 = tpu.memref_slice %dma_wait3A_373[%dma_wait3A_374, %dma_wait3A_375] : memref<457x64xf32, #tpu.memory_space<vmem>> -> memref<128x64xf32, #tpu.memory_space<vmem>>
      %dma_wait3A_377 = arith.constant 0 : i32
      %dma_wait3A_378 = tpu.memref_slice %arg8[%dma_wait3A_368, %dma_wait3A_377] : memref<2x457xi32, #tpu.memory_space<vmem>> -> memref<1x457xi32, #tpu.memory_space<vmem>>
      %dma_wait3A_379 = tpu.memref_squeeze %dma_wait3A_378 : memref<1x457xi32, #tpu.memory_space<vmem>> -> memref<457xi32, #tpu.memory_space<vmem>>
      %dma_wait3A_380 = arith.constant 256 : i32
      %dma_wait3A_381 = tpu.memref_slice %dma_wait3A_379[%dma_wait3A_380] : memref<457xi32, #tpu.memory_space<vmem>> -> memref<128xi32, #tpu.memory_space<vmem>>
      %dma_wait3A_382 = arith.constant 0 : i32
      %dma_wait3A_383 = arith.constant 0 : i32
      %dma_wait3A_384 = tpu.memref_slice %arg11[%dma_wait3A_382, %dma_wait3A_383] : memref<457x64xf32, #tpu.memory_space<vmem_shared>> -> memref<457x64xf32, #tpu.memory_space<vmem_shared>>
      tpu.wait_indirect_dma semaphore(%arg14 : memref<!tpu.dma_semaphore, #tpu.memory_space<semaphore_mem>>) src(%dma_wait3A_384 : memref<457x64xf32, #tpu.memory_space<vmem_shared>>) dst(%dma_wait3A_376 : memref<128x64xf32, #tpu.memory_space<vmem>>)
      %dma_wait3A_385 = arith.constant 0 : i32
      %dma_wait3A_386 = arith.constant 0 : i32
      %dma_wait3A_387 = arith.constant 0 : i32
      %dma_wait3A_388 = arith.constant 0 : i32
      %dma_wait3A_389 = tpu.memref_slice %arg9[%dma_wait3A_386, %dma_wait3A_387, %dma_wait3A_388] : memref<2x457x64xf32, #tpu.memory_space<vmem>> -> memref<1x457x64xf32, #tpu.memory_space<vmem>>
      %dma_wait3A_390 = tpu.memref_squeeze %dma_wait3A_389 : memref<1x457x64xf32, #tpu.memory_space<vmem>> -> memref<457x64xf32, #tpu.memory_space<vmem>>
      %dma_wait3A_391 = arith.constant 384 : i32
      %dma_wait3A_392 = arith.constant 0 : i32
      %dma_wait3A_393 = tpu.memref_slice %dma_wait3A_390[%dma_wait3A_391, %dma_wait3A_392] : memref<457x64xf32, #tpu.memory_space<vmem>> -> memref<73x64xf32, #tpu.memory_space<vmem>>
      %dma_wait3A_394 = arith.constant 0 : i32
      %dma_wait3A_395 = tpu.memref_slice %arg8[%dma_wait3A_385, %dma_wait3A_394] : memref<2x457xi32, #tpu.memory_space<vmem>> -> memref<1x457xi32, #tpu.memory_space<vmem>>
      %dma_wait3A_396 = tpu.memref_squeeze %dma_wait3A_395 : memref<1x457xi32, #tpu.memory_space<vmem>> -> memref<457xi32, #tpu.memory_space<vmem>>
      %dma_wait3A_397 = arith.constant 384 : i32
      %dma_wait3A_398 = tpu.memref_slice %dma_wait3A_396[%dma_wait3A_397] : memref<457xi32, #tpu.memory_space<vmem>> -> memref<73xi32, #tpu.memory_space<vmem>>
      %dma_wait3A_399 = arith.constant 0 : i32
      %dma_wait3A_400 = arith.constant 0 : i32
      %dma_wait3A_401 = tpu.memref_slice %arg11[%dma_wait3A_399, %dma_wait3A_400] : memref<457x64xf32, #tpu.memory_space<vmem_shared>> -> memref<457x64xf32, #tpu.memory_space<vmem_shared>>
      tpu.wait_indirect_dma semaphore(%arg14 : memref<!tpu.dma_semaphore, #tpu.memory_space<semaphore_mem>>) src(%dma_wait3A_401 : memref<457x64xf32, #tpu.memory_space<vmem_shared>>) dst(%dma_wait3A_393 : memref<73x64xf32, #tpu.memory_space<vmem>>)
      %add3A_402 = arith.addi %mul3A_75, %add3A_333 : i32
      %dma_start3A_403 = arith.constant 0 : i32
      %dma_start3A_404 = arith.constant 0 : i32
      %dma_start3A_405 = arith.constant 0 : i32
      %dma_start3A_406 = tpu.memref_slice %arg9[%dma_start3A_403, %dma_start3A_404, %dma_start3A_405] : memref<2x457x64xf32, #tpu.memory_space<vmem>> -> memref<1x457x64xf32, #tpu.memory_space<vmem>>
      %dma_start3A_407 = tpu.memref_squeeze %dma_start3A_406 : memref<1x457x64xf32, #tpu.memory_space<vmem>> -> memref<457x64xf32, #tpu.memory_space<vmem>>
      %dma_start3A_408 = arith.constant 0 : i32
      %dma_start3A_409 = arith.constant 0 : i32
      %dma_start3A_410 = tpu.memref_slice %arg7[%add3A_402, %dma_start3A_408, %dma_start3A_409] : memref<1024x457x64xf32, #tpu.memory_space<hbm>> -> memref<1x457x64xf32, #tpu.memory_space<hbm>>
      %dma_start3A_411 = tpu.memref_squeeze %dma_start3A_410 : memref<1x457x64xf32, #tpu.memory_space<hbm>> -> memref<457x64xf32, #tpu.memory_space<hbm>>
      %dma_start3A_412 = arith.constant 0 : i32
      %dma_start3A_413 = arith.constant 0 : i32
      %dma_start3A_414 = tpu.memref_slice %arg7[%add3A_402, %dma_start3A_412, %dma_start3A_413] : memref<1024x457x64xf32, #tpu.memory_space<hbm>> -> memref<1x457x64xf32, #tpu.memory_space<hbm>>
      %dma_start3A_415 = tpu.memref_squeeze %dma_start3A_414 : memref<1x457x64xf32, #tpu.memory_space<hbm>> -> memref<457x64xf32, #tpu.memory_space<hbm>>
      %dma_start3A_416 = arith.constant 0 : i32
      %dma_start3A_417 = arith.constant 0 : i32
      %dma_start3A_418 = tpu.memref_slice %arg9[%dma_start3A_403, %dma_start3A_416, %dma_start3A_417] : memref<2x457x64xf32, #tpu.memory_space<vmem>> -> memref<1x457x64xf32, #tpu.memory_space<vmem>>
      %dma_start3A_419 = tpu.memref_squeeze %dma_start3A_418 : memref<1x457x64xf32, #tpu.memory_space<vmem>> -> memref<457x64xf32, #tpu.memory_space<vmem>>
      tpu.enqueue_dma source(%dma_start3A_419 : memref<457x64xf32, #tpu.memory_space<vmem>>) target(%dma_start3A_415 : memref<457x64xf32, #tpu.memory_space<hbm>>) target_semaphore(%arg16 : memref<!tpu.dma_semaphore, #tpu.memory_space<semaphore_mem>>)
      %add3A_420 = arith.constant 2 : i32
      %add3A_421 = arith.addi %add3A_333, %add3A_420 : i32
      %lt3A = arith.constant 32 : i32
      %lt3A_422 = arith.cmpi slt, %add3A_421, %lt3A : i32
      %convert_element_type3A_423 = arith.extui %lt3A_422 : i1 to i32
      %cond3A_424 = arith.constant 0 : i32
      %cond3A_425 = arith.cmpi ne, %convert_element_type3A_423, %cond3A_424 : i32
      scf.if %cond3A_425 {
        %add3A_523 = arith.addi %mul3A_75, %add3A_333 : i32
        %add3A_524 = arith.constant 2 : i32
        %add3A_525 = arith.addi %add3A_523, %add3A_524 : i32
        %dma_start3A_526 = arith.constant 0 : i32
        %dma_start3A_527 = arith.constant 0 : i32
        %dma_start3A_528 = tpu.memref_slice %arg8[%dma_start3A_526, %dma_start3A_527] : memref<2x457xi32, #tpu.memory_space<vmem>> -> memref<1x457xi32, #tpu.memory_space<vmem>>
        %dma_start3A_529 = tpu.memref_squeeze %dma_start3A_528 : memref<1x457xi32, #tpu.memory_space<vmem>> -> memref<457xi32, #tpu.memory_space<vmem>>
        %dma_start3A_530 = arith.constant 0 : i32
        %dma_start3A_531 = tpu.memref_slice %arg5[%add3A_525, %dma_start3A_530] : memref<1024x457xi32, #tpu.memory_space<hbm>> -> memref<1x457xi32, #tpu.memory_space<hbm>>
        %dma_start3A_532 = tpu.memref_squeeze %dma_start3A_531 : memref<1x457xi32, #tpu.memory_space<hbm>> -> memref<457xi32, #tpu.memory_space<hbm>>
        %dma_start3A_533 = arith.constant 0 : i32
        %dma_start3A_534 = tpu.memref_slice %arg8[%dma_start3A_526, %dma_start3A_533] : memref<2x457xi32, #tpu.memory_space<vmem>> -> memref<1x457xi32, #tpu.memory_space<vmem>>
        %dma_start3A_535 = tpu.memref_squeeze %dma_start3A_534 : memref<1x457xi32, #tpu.memory_space<vmem>> -> memref<457xi32, #tpu.memory_space<vmem>>
        %dma_start3A_536 = arith.constant 0 : i32
        %dma_start3A_537 = tpu.memref_slice %arg5[%add3A_525, %dma_start3A_536] : memref<1024x457xi32, #tpu.memory_space<hbm>> -> memref<1x457xi32, #tpu.memory_space<hbm>>
        %dma_start3A_538 = tpu.memref_squeeze %dma_start3A_537 : memref<1x457xi32, #tpu.memory_space<hbm>> -> memref<457xi32, #tpu.memory_space<hbm>>
        tpu.enqueue_dma source(%dma_start3A_538 : memref<457xi32, #tpu.memory_space<hbm>>) target(%dma_start3A_535 : memref<457xi32, #tpu.memory_space<vmem>>) target_semaphore(%arg12 : memref<!tpu.dma_semaphore, #tpu.memory_space<semaphore_mem>>)
      } else {
      }
      %mul3A_426 = arith.constant 2 : i32
      %mul3A_427 = arith.muli %mul3A_426, %scan3A_148 : i32
      %add3A_428 = arith.constant 1 : i32
      %add3A_429 = arith.addi %mul3A_427, %add3A_428 : i32
      %dma_wait3A_430 = arith.constant 1 : i32
      %dma_wait3A_431 = arith.constant 1 : i32
      %dma_wait3A_432 = arith.constant 0 : i32
      %dma_wait3A_433 = arith.constant 0 : i32
      %dma_wait3A_434 = tpu.memref_slice %arg9[%dma_wait3A_431, %dma_wait3A_432, %dma_wait3A_433] : memref<2x457x64xf32, #tpu.memory_space<vmem>> -> memref<1x457x64xf32, #tpu.memory_space<vmem>>
      %dma_wait3A_435 = tpu.memref_squeeze %dma_wait3A_434 : memref<1x457x64xf32, #tpu.memory_space<vmem>> -> memref<457x64xf32, #tpu.memory_space<vmem>>
      %dma_wait3A_436 = arith.constant 0 : i32
      %dma_wait3A_437 = arith.constant 0 : i32
      %dma_wait3A_438 = tpu.memref_slice %dma_wait3A_435[%dma_wait3A_436, %dma_wait3A_437] : memref<457x64xf32, #tpu.memory_space<vmem>> -> memref<128x64xf32, #tpu.memory_space<vmem>>
      %dma_wait3A_439 = arith.constant 0 : i32
      %dma_wait3A_440 = tpu.memref_slice %arg8[%dma_wait3A_430, %dma_wait3A_439] : memref<2x457xi32, #tpu.memory_space<vmem>> -> memref<1x457xi32, #tpu.memory_space<vmem>>
      %dma_wait3A_441 = tpu.memref_squeeze %dma_wait3A_440 : memref<1x457xi32, #tpu.memory_space<vmem>> -> memref<457xi32, #tpu.memory_space<vmem>>
      %dma_wait3A_442 = arith.constant 0 : i32
      %dma_wait3A_443 = tpu.memref_slice %dma_wait3A_441[%dma_wait3A_442] : memref<457xi32, #tpu.memory_space<vmem>> -> memref<128xi32, #tpu.memory_space<vmem>>
      %dma_wait3A_444 = arith.constant 0 : i32
      %dma_wait3A_445 = arith.constant 0 : i32
      %dma_wait3A_446 = tpu.memref_slice %arg11[%dma_wait3A_444, %dma_wait3A_445] : memref<457x64xf32, #tpu.memory_space<vmem_shared>> -> memref<457x64xf32, #tpu.memory_space<vmem_shared>>
      tpu.wait_indirect_dma semaphore(%arg15 : memref<!tpu.dma_semaphore, #tpu.memory_space<semaphore_mem>>) src(%dma_wait3A_446 : memref<457x64xf32, #tpu.memory_space<vmem_shared>>) dst(%dma_wait3A_438 : memref<128x64xf32, #tpu.memory_space<vmem>>)
      %dma_wait3A_447 = arith.constant 1 : i32
      %dma_wait3A_448 = arith.constant 1 : i32
      %dma_wait3A_449 = arith.constant 0 : i32
      %dma_wait3A_450 = arith.constant 0 : i32
      %dma_wait3A_451 = tpu.memref_slice %arg9[%dma_wait3A_448, %dma_wait3A_449, %dma_wait3A_450] : memref<2x457x64xf32, #tpu.memory_space<vmem>> -> memref<1x457x64xf32, #tpu.memory_space<vmem>>
      %dma_wait3A_452 = tpu.memref_squeeze %dma_wait3A_451 : memref<1x457x64xf32, #tpu.memory_space<vmem>> -> memref<457x64xf32, #tpu.memory_space<vmem>>
      %dma_wait3A_453 = arith.constant 128 : i32
      %dma_wait3A_454 = arith.constant 0 : i32
      %dma_wait3A_455 = tpu.memref_slice %dma_wait3A_452[%dma_wait3A_453, %dma_wait3A_454] : memref<457x64xf32, #tpu.memory_space<vmem>> -> memref<128x64xf32, #tpu.memory_space<vmem>>
      %dma_wait3A_456 = arith.constant 0 : i32
      %dma_wait3A_457 = tpu.memref_slice %arg8[%dma_wait3A_447, %dma_wait3A_456] : memref<2x457xi32, #tpu.memory_space<vmem>> -> memref<1x457xi32, #tpu.memory_space<vmem>>
      %dma_wait3A_458 = tpu.memref_squeeze %dma_wait3A_457 : memref<1x457xi32, #tpu.memory_space<vmem>> -> memref<457xi32, #tpu.memory_space<vmem>>
      %dma_wait3A_459 = arith.constant 128 : i32
      %dma_wait3A_460 = tpu.memref_slice %dma_wait3A_458[%dma_wait3A_459] : memref<457xi32, #tpu.memory_space<vmem>> -> memref<128xi32, #tpu.memory_space<vmem>>
      %dma_wait3A_461 = arith.constant 0 : i32
      %dma_wait3A_462 = arith.constant 0 : i32
      %dma_wait3A_463 = tpu.memref_slice %arg11[%dma_wait3A_461, %dma_wait3A_462] : memref<457x64xf32, #tpu.memory_space<vmem_shared>> -> memref<457x64xf32, #tpu.memory_space<vmem_shared>>
      tpu.wait_indirect_dma semaphore(%arg15 : memref<!tpu.dma_semaphore, #tpu.memory_space<semaphore_mem>>) src(%dma_wait3A_463 : memref<457x64xf32, #tpu.memory_space<vmem_shared>>) dst(%dma_wait3A_455 : memref<128x64xf32, #tpu.memory_space<vmem>>)
      %dma_wait3A_464 = arith.constant 1 : i32
      %dma_wait3A_465 = arith.constant 1 : i32
      %dma_wait3A_466 = arith.constant 0 : i32
      %dma_wait3A_467 = arith.constant 0 : i32
      %dma_wait3A_468 = tpu.memref_slice %arg9[%dma_wait3A_465, %dma_wait3A_466, %dma_wait3A_467] : memref<2x457x64xf32, #tpu.memory_space<vmem>> -> memref<1x457x64xf32, #tpu.memory_space<vmem>>
      %dma_wait3A_469 = tpu.memref_squeeze %dma_wait3A_468 : memref<1x457x64xf32, #tpu.memory_space<vmem>> -> memref<457x64xf32, #tpu.memory_space<vmem>>
      %dma_wait3A_470 = arith.constant 256 : i32
      %dma_wait3A_471 = arith.constant 0 : i32
      %dma_wait3A_472 = tpu.memref_slice %dma_wait3A_469[%dma_wait3A_470, %dma_wait3A_471] : memref<457x64xf32, #tpu.memory_space<vmem>> -> memref<128x64xf32, #tpu.memory_space<vmem>>
      %dma_wait3A_473 = arith.constant 0 : i32
      %dma_wait3A_474 = tpu.memref_slice %arg8[%dma_wait3A_464, %dma_wait3A_473] : memref<2x457xi32, #tpu.memory_space<vmem>> -> memref<1x457xi32, #tpu.memory_space<vmem>>
      %dma_wait3A_475 = tpu.memref_squeeze %dma_wait3A_474 : memref<1x457xi32, #tpu.memory_space<vmem>> -> memref<457xi32, #tpu.memory_space<vmem>>
      %dma_wait3A_476 = arith.constant 256 : i32
      %dma_wait3A_477 = tpu.memref_slice %dma_wait3A_475[%dma_wait3A_476] : memref<457xi32, #tpu.memory_space<vmem>> -> memref<128xi32, #tpu.memory_space<vmem>>
      %dma_wait3A_478 = arith.constant 0 : i32
      %dma_wait3A_479 = arith.constant 0 : i32
      %dma_wait3A_480 = tpu.memref_slice %arg11[%dma_wait3A_478, %dma_wait3A_479] : memref<457x64xf32, #tpu.memory_space<vmem_shared>> -> memref<457x64xf32, #tpu.memory_space<vmem_shared>>
      tpu.wait_indirect_dma semaphore(%arg15 : memref<!tpu.dma_semaphore, #tpu.memory_space<semaphore_mem>>) src(%dma_wait3A_480 : memref<457x64xf32, #tpu.memory_space<vmem_shared>>) dst(%dma_wait3A_472 : memref<128x64xf32, #tpu.memory_space<vmem>>)
      %dma_wait3A_481 = arith.constant 1 : i32
      %dma_wait3A_482 = arith.constant 1 : i32
      %dma_wait3A_483 = arith.constant 0 : i32
      %dma_wait3A_484 = arith.constant 0 : i32
      %dma_wait3A_485 = tpu.memref_slice %arg9[%dma_wait3A_482, %dma_wait3A_483, %dma_wait3A_484] : memref<2x457x64xf32, #tpu.memory_space<vmem>> -> memref<1x457x64xf32, #tpu.memory_space<vmem>>
      %dma_wait3A_486 = tpu.memref_squeeze %dma_wait3A_485 : memref<1x457x64xf32, #tpu.memory_space<vmem>> -> memref<457x64xf32, #tpu.memory_space<vmem>>
      %dma_wait3A_487 = arith.constant 384 : i32
      %dma_wait3A_488 = arith.constant 0 : i32
      %dma_wait3A_489 = tpu.memref_slice %dma_wait3A_486[%dma_wait3A_487, %dma_wait3A_488] : memref<457x64xf32, #tpu.memory_space<vmem>> -> memref<73x64xf32, #tpu.memory_space<vmem>>
      %dma_wait3A_490 = arith.constant 0 : i32
      %dma_wait3A_491 = tpu.memref_slice %arg8[%dma_wait3A_481, %dma_wait3A_490] : memref<2x457xi32, #tpu.memory_space<vmem>> -> memref<1x457xi32, #tpu.memory_space<vmem>>
      %dma_wait3A_492 = tpu.memref_squeeze %dma_wait3A_491 : memref<1x457xi32, #tpu.memory_space<vmem>> -> memref<457xi32, #tpu.memory_space<vmem>>
      %dma_wait3A_493 = arith.constant 384 : i32
      %dma_wait3A_494 = tpu.memref_slice %dma_wait3A_492[%dma_wait3A_493] : memref<457xi32, #tpu.memory_space<vmem>> -> memref<73xi32, #tpu.memory_space<vmem>>
      %dma_wait3A_495 = arith.constant 0 : i32
      %dma_wait3A_496 = arith.constant 0 : i32
      %dma_wait3A_497 = tpu.memref_slice %arg11[%dma_wait3A_495, %dma_wait3A_496] : memref<457x64xf32, #tpu.memory_space<vmem_shared>> -> memref<457x64xf32, #tpu.memory_space<vmem_shared>>
      tpu.wait_indirect_dma semaphore(%arg15 : memref<!tpu.dma_semaphore, #tpu.memory_space<semaphore_mem>>) src(%dma_wait3A_497 : memref<457x64xf32, #tpu.memory_space<vmem_shared>>) dst(%dma_wait3A_489 : memref<73x64xf32, #tpu.memory_space<vmem>>)
      %add3A_498 = arith.addi %mul3A_75, %add3A_429 : i32
      %dma_start3A_499 = arith.constant 1 : i32
      %dma_start3A_500 = arith.constant 0 : i32
      %dma_start3A_501 = arith.constant 0 : i32
      %dma_start3A_502 = tpu.memref_slice %arg9[%dma_start3A_499, %dma_start3A_500, %dma_start3A_501] : memref<2x457x64xf32, #tpu.memory_space<vmem>> -> memref<1x457x64xf32, #tpu.memory_space<vmem>>
      %dma_start3A_503 = tpu.memref_squeeze %dma_start3A_502 : memref<1x457x64xf32, #tpu.memory_space<vmem>> -> memref<457x64xf32, #tpu.memory_space<vmem>>
      %dma_start3A_504 = arith.constant 0 : i32
      %dma_start3A_505 = arith.constant 0 : i32
      %dma_start3A_506 = tpu.memref_slice %arg7[%add3A_498, %dma_start3A_504, %dma_start3A_505] : memref<1024x457x64xf32, #tpu.memory_space<hbm>> -> memref<1x457x64xf32, #tpu.memory_space<hbm>>
      %dma_start3A_507 = tpu.memref_squeeze %dma_start3A_506 : memref<1x457x64xf32, #tpu.memory_space<hbm>> -> memref<457x64xf32, #tpu.memory_space<hbm>>
      %dma_start3A_508 = arith.constant 0 : i32
      %dma_start3A_509 = arith.constant 0 : i32
      %dma_start3A_510 = tpu.memref_slice %arg7[%add3A_498, %dma_start3A_508, %dma_start3A_509] : memref<1024x457x64xf32, #tpu.memory_space<hbm>> -> memref<1x457x64xf32, #tpu.memory_space<hbm>>
      %dma_start3A_511 = tpu.memref_squeeze %dma_start3A_510 : memref<1x457x64xf32, #tpu.memory_space<hbm>> -> memref<457x64xf32, #tpu.memory_space<hbm>>
      %dma_start3A_512 = arith.constant 0 : i32
      %dma_start3A_513 = arith.constant 0 : i32
      %dma_start3A_514 = tpu.memref_slice %arg9[%dma_start3A_499, %dma_start3A_512, %dma_start3A_513] : memref<2x457x64xf32, #tpu.memory_space<vmem>> -> memref<1x457x64xf32, #tpu.memory_space<vmem>>
      %dma_start3A_515 = tpu.memref_squeeze %dma_start3A_514 : memref<1x457x64xf32, #tpu.memory_space<vmem>> -> memref<457x64xf32, #tpu.memory_space<vmem>>
      tpu.enqueue_dma source(%dma_start3A_515 : memref<457x64xf32, #tpu.memory_space<vmem>>) target(%dma_start3A_511 : memref<457x64xf32, #tpu.memory_space<hbm>>) target_semaphore(%arg17 : memref<!tpu.dma_semaphore, #tpu.memory_space<semaphore_mem>>)
      %add3A_516 = arith.constant 2 : i32
      %add3A_517 = arith.addi %add3A_429, %add3A_516 : i32
      %lt3A_518 = arith.constant 32 : i32
      %lt3A_519 = arith.cmpi slt, %add3A_517, %lt3A_518 : i32
      %convert_element_type3A_520 = arith.extui %lt3A_519 : i1 to i32
      %cond3A_521 = arith.constant 0 : i32
      %cond3A_522 = arith.cmpi ne, %convert_element_type3A_520, %cond3A_521 : i32
      scf.if %cond3A_522 {
        %add3A_523 = arith.addi %mul3A_75, %add3A_429 : i32
        %add3A_524 = arith.constant 2 : i32
        %add3A_525 = arith.addi %add3A_523, %add3A_524 : i32
        %dma_start3A_526 = arith.constant 1 : i32
        %dma_start3A_527 = arith.constant 0 : i32
        %dma_start3A_528 = tpu.memref_slice %arg8[%dma_start3A_526, %dma_start3A_527] : memref<2x457xi32, #tpu.memory_space<vmem>> -> memref<1x457xi32, #tpu.memory_space<vmem>>
        %dma_start3A_529 = tpu.memref_squeeze %dma_start3A_528 : memref<1x457xi32, #tpu.memory_space<vmem>> -> memref<457xi32, #tpu.memory_space<vmem>>
        %dma_start3A_530 = arith.constant 0 : i32
        %dma_start3A_531 = tpu.memref_slice %arg5[%add3A_525, %dma_start3A_530] : memref<1024x457xi32, #tpu.memory_space<hbm>> -> memref<1x457xi32, #tpu.memory_space<hbm>>
        %dma_start3A_532 = tpu.memref_squeeze %dma_start3A_531 : memref<1x457xi32, #tpu.memory_space<hbm>> -> memref<457xi32, #tpu.memory_space<hbm>>
        %dma_start3A_533 = arith.constant 0 : i32
        %dma_start3A_534 = tpu.memref_slice %arg8[%dma_start3A_526, %dma_start3A_533] : memref<2x457xi32, #tpu.memory_space<vmem>> -> memref<1x457xi32, #tpu.memory_space<vmem>>
        %dma_start3A_535 = tpu.memref_squeeze %dma_start3A_534 : memref<1x457xi32, #tpu.memory_space<vmem>> -> memref<457xi32, #tpu.memory_space<vmem>>
        %dma_start3A_536 = arith.constant 0 : i32
        %dma_start3A_537 = tpu.memref_slice %arg5[%add3A_525, %dma_start3A_536] : memref<1024x457xi32, #tpu.memory_space<hbm>> -> memref<1x457xi32, #tpu.memory_space<hbm>>
        %dma_start3A_538 = tpu.memref_squeeze %dma_start3A_537 : memref<1x457xi32, #tpu.memory_space<hbm>> -> memref<457xi32, #tpu.memory_space<hbm>>
        tpu.enqueue_dma source(%dma_start3A_538 : memref<457xi32, #tpu.memory_space<hbm>>) target(%dma_start3A_535 : memref<457xi32, #tpu.memory_space<vmem>>) target_semaphore(%arg13 : memref<!tpu.dma_semaphore, #tpu.memory_space<semaphore_mem>>)
      } else {
      }
    }
    %scan3A_111 = arith.constant 16 : i32
    %dma_wait3A_112 = arith.constant 0 : i32
    %dma_wait3A_113 = arith.constant 0 : i32
    %dma_wait3A_114 = arith.constant 0 : i32
    %dma_wait3A_115 = arith.constant 0 : i32
    %dma_wait3A_116 = tpu.memref_slice %arg9[%dma_wait3A_112, %dma_wait3A_114, %dma_wait3A_115] : memref<2x457x64xf32, #tpu.memory_space<vmem>> -> memref<1x457x64xf32, #tpu.memory_space<vmem>>
    %dma_wait3A_117 = tpu.memref_squeeze %dma_wait3A_116 : memref<1x457x64xf32, #tpu.memory_space<vmem>> -> memref<457x64xf32, #tpu.memory_space<vmem>>
    %dma_wait3A_118 = arith.constant 0 : i32
    %dma_wait3A_119 = arith.constant 0 : i32
    %dma_wait3A_120 = tpu.memref_slice %arg7[%dma_wait3A_113, %dma_wait3A_118, %dma_wait3A_119] : memref<1024x457x64xf32, #tpu.memory_space<hbm>> -> memref<1x457x64xf32, #tpu.memory_space<hbm>>
    %dma_wait3A_121 = tpu.memref_squeeze %dma_wait3A_120 : memref<1x457x64xf32, #tpu.memory_space<hbm>> -> memref<457x64xf32, #tpu.memory_space<hbm>>
    %dma_wait3A_122 = arith.constant 0 : i32
    %dma_wait3A_123 = arith.constant 0 : i32
    %dma_wait3A_124 = tpu.memref_slice %arg7[%dma_wait3A_113, %dma_wait3A_122, %dma_wait3A_123] : memref<1024x457x64xf32, #tpu.memory_space<hbm>> -> memref<1x457x64xf32, #tpu.memory_space<hbm>>
    %dma_wait3A_125 = tpu.memref_squeeze %dma_wait3A_124 : memref<1x457x64xf32, #tpu.memory_space<hbm>> -> memref<457x64xf32, #tpu.memory_space<hbm>>
    %dma_wait3A_126 = arith.constant 0 : i32
    %dma_wait3A_127 = arith.constant 0 : i32
    %dma_wait3A_128 = tpu.memref_slice %arg9[%dma_wait3A_112, %dma_wait3A_126, %dma_wait3A_127] : memref<2x457x64xf32, #tpu.memory_space<vmem>> -> memref<1x457x64xf32, #tpu.memory_space<vmem>>
    %dma_wait3A_129 = tpu.memref_squeeze %dma_wait3A_128 : memref<1x457x64xf32, #tpu.memory_space<vmem>> -> memref<457x64xf32, #tpu.memory_space<vmem>>
    tpu.wait_dma2 semaphore(%arg16 : memref<!tpu.dma_semaphore, #tpu.memory_space<semaphore_mem>>) src(%dma_wait3A_129 : memref<457x64xf32, #tpu.memory_space<vmem>>) dst(%dma_wait3A_125 : memref<457x64xf32, #tpu.memory_space<hbm>>)
    %dma_wait3A_130 = arith.constant 1 : i32
    %dma_wait3A_131 = arith.constant 0 : i32
    %dma_wait3A_132 = arith.constant 0 : i32
    %dma_wait3A_133 = arith.constant 0 : i32
    %dma_wait3A_134 = tpu.memref_slice %arg9[%dma_wait3A_130, %dma_wait3A_132, %dma_wait3A_133] : memref<2x457x64xf32, #tpu.memory_space<vmem>> -> memref<1x457x64xf32, #tpu.memory_space<vmem>>
    %dma_wait3A_135 = tpu.memref_squeeze %dma_wait3A_134 : memref<1x457x64xf32, #tpu.memory_space<vmem>> -> memref<457x64xf32, #tpu.memory_space<vmem>>
    %dma_wait3A_136 = arith.constant 0 : i32
    %dma_wait3A_137 = arith.constant 0 : i32
    %dma_wait3A_138 = tpu.memref_slice %arg7[%dma_wait3A_131, %dma_wait3A_136, %dma_wait3A_137] : memref<1024x457x64xf32, #tpu.memory_space<hbm>> -> memref<1x457x64xf32, #tpu.memory_space<hbm>>
    %dma_wait3A_139 = tpu.memref_squeeze %dma_wait3A_138 : memref<1x457x64xf32, #tpu.memory_space<hbm>> -> memref<457x64xf32, #tpu.memory_space<hbm>>
    %dma_wait3A_140 = arith.constant 0 : i32
    %dma_wait3A_141 = arith.constant 0 : i32
    %dma_wait3A_142 = tpu.memref_slice %arg7[%dma_wait3A_131, %dma_wait3A_140, %dma_wait3A_141] : memref<1024x457x64xf32, #tpu.memory_space<hbm>> -> memref<1x457x64xf32, #tpu.memory_space<hbm>>
    %dma_wait3A_143 = tpu.memref_squeeze %dma_wait3A_142 : memref<1x457x64xf32, #tpu.memory_space<hbm>> -> memref<457x64xf32, #tpu.memory_space<hbm>>
    %dma_wait3A_144 = arith.constant 0 : i32
    %dma_wait3A_145 = arith.constant 0 : i32
    %dma_wait3A_146 = tpu.memref_slice %arg9[%dma_wait3A_130, %dma_wait3A_144, %dma_wait3A_145] : memref<2x457x64xf32, #tpu.memory_space<vmem>> -> memref<1x457x64xf32, #tpu.memory_space<vmem>>
    %dma_wait3A_147 = tpu.memref_squeeze %dma_wait3A_146 : memref<1x457x64xf32, #tpu.memory_space<vmem>> -> memref<457x64xf32, #tpu.memory_space<vmem>>
    tpu.wait_dma2 semaphore(%arg17 : memref<!tpu.dma_semaphore, #tpu.memory_space<semaphore_mem>>) src(%dma_wait3A_147 : memref<457x64xf32, #tpu.memory_space<vmem>>) dst(%dma_wait3A_143 : memref<457x64xf32, #tpu.memory_space<hbm>>)
    return
  }
}

</mosaic_0001>

<sc_bundles>
// kernel: kernel.3.cloned.1.call-start
scs
__scs_entry_jumppad:
0x0: {  	(pc) =	sbr.rel $0x88, $3  }
0x1: {  	(tag) =	ssettag $0x0;
	lr =	simm.s32 $0x1  }
0x2: {  	[smem:$0x3F9D] =	sst lr;
	_ =	strace $0xD0000000  }
0x3: {  	_ = 	snop  }
0x4: {  	_ = 	snop  }
0x5: {  	_ = 	snop  }
0x6: {  	_ = 	snop  }
0x7: {  	_ = 	snop  }
__scs_overlays_trampoline_lowered:
0x8: {  	[smem:$0x3FAC] =	sst s0  }
0x9: {  	[smem:$0x3FAD] =	sst s1  }
0xa: {  	[smem:$0x3FAE] =	sst s2  }
0xb: {  	[smem:$0x3FAF] =	sst s3  }
0xc: {  	[smem:$0x3FB0] =	sst s4  }
0xd: {  	[smem:$0x3FB1] =	sst s5  }
0xe: {  	[smem:$0x3FB2] =	sst s6  }
0xf: {  	[smem:$0x3FB3] =	sst s7  }
0x10: {  	[smem:$0x3FB4] =	sst s8  }
0x11: {  	[smem:$0x3FB5] =	sst s9;
	s0 =	simm.s32 @!p0 $0x0  }
0x12: {  	s1 =	sld [smem:$0x3F9B];
	s0 =	simm.s32 @p0 $0x1  }
0x13: {  	[smem:$0x3FB6] =	sst s0;
	s0 =	simm.s32 @!p1 $0x0  }
0x14: {  	s2 =	sld [smem:$0x3F9A];
	s0 =	simm.s32 @p1 $0x1  }
0x15: {  	[smem:$0x3FB7] =	sst s0;
	s0 =	simm.s32 @!p2 $0x0  }
0x16: {  	s3 =	sld [smem:$0x3FDB];
	s0 =	simm.s32 @p2 $0x1  }
0x17: {  	s4 =	simm.s32 $0x1BF5;
	[smem:$0x3FB9] =	sst s0  }
0x18: {  	s0 =	sld [smem:$0x3F9C];
	_ =	swait.ge [sflag:s4], $0x0  }
0x19: {  	s7 =	sld [smem:$0x3F9D]  }
0x1a: {  	s8 =	sadd.s32 $0xFFFFE003, lr  }
0x1b: {  	s9 =	sadd.s32 $0xFFFFFEF7, lr;
	s5 =	simm.s32 $0xFFFFFFFF;
	p2 =	slt.u32 s8, $0xFFFFF086  }
0x1c: {  	p1 =	slt.u32 s9, $0xF7A;
	s5 =	simm.s32 @!p2 $0x0  }
0x1d: {  	s5 =	simm.s32 @p1 $0x1;
	p0 =	seq.s32 s7, s2  }
0x1e: {  	s7 =	smul.u32 @!p0 $0xF7A, s2;
	p2 =	seq.s32 @!p0 s5, $0x0  }
0x1f: {  	s9 =	smul.u32 $0xF7A, s1;
	s8 =	simm.s32 @!p0 $0x1BF5;
	p2 =	por !p2, p0  }
0x20: {  	[sflag:s8] =	ssyncset.s32 @!p0 $0xFFFFF086;
	s6 =	sadd.s32 @!p0 s3, s7;
	s7 =	simm.s32 @!p0 $0x108  }
0x21: {  	s3 =	sadd.s32 s3, s9;
	s6 =	sadd.s32 @!p0 $0x88, s6;
	s7 =	simm.s32 @p2 $0x1082  }
0x22: {  	[simem:s7], [sflag:s8] =	dma.local @!p0 [hbm:s6], $0xF7A  }
0x23: {  	s9 =	sor.u32 $0xD0000000, s2;
	s6 =	simm.s32 $0x108;
	_ =	swait.ge @!p0 [sflag:s8], $0x0  }
0x24: {  	s3 =	sadd.s32 $0x88, s3;
	s6 =	simm.s32 @!p1 $0x1082;
	[sflag:s4] =	ssyncset.s32 $0xFFFFF086  }
0x25: {  	[simem:s6], [sflag:s4] =	dma.local [hbm:s3], $0xF7A  }
0x26: {  	[smem:$0x3F9D] =	sst s1;
	(tag) =	ssettag s2;
	_ =	strace s9  }
0x27: {  	s1 =	sld [smem:$0x3FAD]  }
0x28: {  	s2 =	sld [smem:$0x3FAE]  }
0x29: {  	s4 =	sld [smem:$0x3FB0]  }
0x2a: {  	p0 =	seq.s32 s5, $0x0;
	s5 =	sld [smem:$0x3FB1]  }
0x2b: {  	s6 =	sld [smem:$0x3FB2]  }
0x2c: {  	s7 =	sld [smem:$0x3FB3]  }
0x2d: {  	s3 =	simm.s32 $0x108;
	s8 =	sld [smem:$0x3FB4]  }
0x2e: {  	s3 =	simm.s32 @!p0 $0x1082;
	s9 =	sld [smem:$0x3FB5]  }
0x2f: {  	lr =	sadd.s32 s0, s3;
	s0 =	sld [smem:$0x3FAC]  }
0x30: {  	s3 =	sld [smem:$0x3FAF]  }
0x31: {  	[smem:$0x3FB8] =	sst s10  }
0x32: {  	s10 =	sld [smem:$0x3FB6];
	_ =	sdelay $0x3  }
0x33: {  	p0 =	seq.s32 s10, $0x1;
	s10 =	sld [smem:$0x3FB8];
	_ =	sdelay $0x3  }
0x34: {  	[smem:$0x3FB8] =	sst s10  }
0x35: {  	s10 =	sld [smem:$0x3FB7];
	_ =	sdelay $0x3  }
0x36: {  	p1 =	seq.s32 s10, $0x1;
	s10 =	sld [smem:$0x3FB8];
	_ =	sdelay $0x3  }
0x37: {  	[smem:$0x3FB8] =	sst s10  }
0x38: {  	s10 =	sld [smem:$0x3FB9]  }
0x39: {  	_ = 	snop;
	(pc) =	sbr.ind lr, $3  }
0x3a: {  	_ = 	snop  }
0x3b: {  	_ = 	snop  }
0x3c: {  	p2 =	seq.s32 s10, $0x1;
	s10 =	sld [smem:$0x3FB8]  }
0x3d: {  	_ =	shalt  }
0x3e: {  	_ =	shalt  }
0x3f: {  	_ =	shalt  }
0x40: {  	_ =	shalt  }
0x41: {  	_ =	shalt  }
0x42: {  	_ =	shalt  }
0x43: {  	_ =	shalt  }
0x44: {  	_ =	shalt  }
0x45: {  	_ =	shalt  }
0x46: {  	_ =	shalt  }
0x47: {  	_ =	shalt  }
0x48: {  	_ =	shalt  }
0x49: {  	_ =	shalt  }
0x4a: {  	_ =	shalt  }
0x4b: {  	_ =	shalt  }
0x4c: {  	_ =	shalt  }
0x4d: {  	_ =	shalt  }
0x4e: {  	_ =	shalt  }
0x4f: {  	_ =	shalt  }
0x50: {  	_ =	shalt  }
0x51: {  	_ =	shalt  }
0x52: {  	_ =	shalt  }
0x53: {  	_ =	shalt  }
0x54: {  	_ =	shalt  }
0x55: {  	_ =	shalt  }
0x56: {  	_ =	shalt  }
0x57: {  	_ =	shalt  }
0x58: {  	_ =	shalt  }
0x59: {  	_ =	shalt  }
0x5a: {  	_ =	shalt  }
0x5b: {  	_ =	shalt  }
0x5c: {  	_ =	shalt  }
0x5d: {  	_ =	shalt  }
0x5e: {  	_ =	shalt  }
0x5f: {  	_ =	shalt  }
0x60: {  	_ =	shalt  }
0x61: {  	_ =	shalt  }
0x62: {  	_ =	shalt  }
0x63: {  	_ =	shalt  }
0x64: {  	_ =	shalt  }
0x65: {  	_ =	shalt  }
0x66: {  	_ =	shalt  }
0x67: {  	_ =	shalt  }
0x68: {  	_ =	shalt  }
0x69: {  	_ =	shalt  }
0x6a: {  	_ =	shalt  }
0x6b: {  	_ =	shalt  }
0x6c: {  	_ =	shalt  }
0x6d: {  	_ =	shalt  }
0x6e: {  	_ =	shalt  }
0x6f: {  	_ =	shalt  }
0x70: {  	_ =	shalt  }
0x71: {  	_ =	shalt  }
0x72: {  	_ =	shalt  }
0x73: {  	_ =	shalt  }
0x74: {  	_ =	shalt  }
0x75: {  	_ =	shalt  }
0x76: {  	_ =	shalt  }
0x77: {  	_ =	shalt  }
0x78: {  	_ =	shalt  }
0x79: {  	_ =	shalt  }
0x7a: {  	_ =	shalt  }
0x7b: {  	_ =	shalt  }
0x7c: {  	_ =	shalt  }
0x7d: {  	_ =	shalt  }
0x7e: {  	_ =	shalt  }
0x7f: {  	_ =	shalt  }
0x80: {  	_ =	shalt  }
0x81: {  	_ =	shalt  }
0x82: {  	_ =	shalt  }
0x83: {  	_ =	shalt  }
0x84: {  	_ =	shalt  }
0x85: {  	_ =	shalt  }
0x86: {  	_ =	shalt  }
0x87: {  	_ =	shalt  }
.Lfunc_end0:
.L_simem_size_0:
called_computation.2_lowered:
.L_overlay_start_0:
0x88: {  	s2 =	sld [smem:$0x3FD9]  }
0x89: {  	s3 =	sld [smem:$0x3FFE];
	_ =	sdelay $0x1  }
0x8a: {  	s1 =	srdreg.scid  }
0x8b: {  	s0 =	sand.u32 $0x1, s1  }
0x8c: {  	s14 =	sshll.u32 s0, $0xA;
	s2 =	sadd.s32 s3, s2  }
0x8d: {  	s2 =	sadd.s32 s2, s14  }
0x8e: {  	[smem:$0x3FC4] =	sst s2  }
0x8f: {  	_ = 	snop  }
0x90: {  	s2 =	sld [smem:$0x3FD0];
	_ =	sdelay $0x2  }
0x91: {  	s15 =	simm.s32 $0xB;
	s4 =	simm.s32 $0x10  }
0x92: {  	[smem:s4], [sflag:s15] =	dma.local [hbm:s2], $0x1  }
0x93: {  	_ =	swait.eq [sflag:s15], $0x1  }
0x94: {  	[sflag:s15] =	ssyncset.done $0x0  }
0x95: {  	s16 =	sld [smem:$0x10];
	[sflag:s15] =	ssyncadd.s32 $0xFFFFFFFF  }
0x96: {  	s17 =	sld [smem:$0x11];
	(tm) =	ssettm $0x1  }
0x97: {  	s18 =	sld [smem:$0x3FFB];
	_ =	sdelay $0x3  }
0x98: {  	_ =	strace s18  }
0x99: {  	s4 =	sld [smem:$0x3FFC];
	_ =	sdelay $0x3  }
0x9a: {  	_ =	strace s4  }
0x9b: {  	s4 =	sld [smem:$0x3FFD];
	_ =	sdelay $0x3  }
0x9c: {  	_ =	strace s4  }
0x9d: {  	_ =	strace $0x8FFFFFFF  }
0x9e: {  	s19 =	sld [smem:$0x3FDB];
	_ =	sdelay $0x1  }
0x9f: {  	s5 =	simm.s32 $_scs_section_size  }
0xa0: {  	s6 =	simm.s32 $_size__tile_overlayer_lowered;
	s7 =	simm.s32 $_tile_overlayer_lowered  }
0xa1: {  	s22 =	simm.s32 $0x1BFF;
	s21 =	sshll.u32 s7, $0x1;
	s4 =	sadd.s32 s5, s19  }
0xa2: {  	s8 =	simm.s32 $0x0;
	s20 =	sshll.u32 s6, $0x1;
	s6 =	sadd.s32 s21, s4  }
0xa3: {  	[timem:s8], [sflag:s22] =	dma.local [hbm:s6], s20  }
0xa4: {  	_ =	swait.ge [sflag:s22], s20  }
0xa5: {  	s5 =	ssub.s32 $0x0, s20;
	[sflag:s22] =	ssyncset.done $0x0  }
0xa6: {  	[sflag:s22] =	ssyncadd.s32 s5;
	_ =	sdelay $0x1  }
0xa7: {  	s23 =	simm.s32 $0x1B8B  }
0xa8: {  	_ =	swait.ge [sflag:s23], $0x1  }
0xa9: {  	[sflag:s23] =	ssyncset.done $0x0  }
0xaa: {  	s25 =	simm.s32 $0x1B8E;
	s24 =	sld [smem:$0x3FFE];
	[sflag:s23] =	ssyncadd.s32 $0xFFFFFFFF  }
0xab: {  	s26 =	simm.s32 $execute0_lowered;
	[smem:$0x3FD2] =	sst s25  }
0xac: {  	s6 =	sshll.u32 s26, $0x1;
	_ =	strace $0x80000046;
	[dreg:$0x1] =	wrdreg $0xFFFFFFFF  }
0xad: {  	s28 =	simm.s32 $_size_execute0_lowered;
	s4 =	sadd.s32 s4, s6;
	[dreg:$0x0] =	wrdreg $0x0  }
0xae: {  	s6 =	sshll.u32 s28, $0x1;
	[dreg:$0x2] =	wrdreg s4  }
0xaf: {  	[dreg:$0x3] =	wrdreg s6  }
0xb0: {  	[dreg:$0x4] =	wrdreg $0xC0  }
0xb1: {  	_ =	task [dreg:s8], $0x5FFFF  }
0xb2: {  	[dreg:$0x1] =	wrdreg $0xFFFFFFFF  }
0xb3: {  	[dreg:$0x0] =	wrdreg $0x60  }
0xb4: {  	[dreg:$0x2] =	wrdreg s24  }
0xb5: {  	[dreg:$0x3] =	wrdreg s16  }
0xb6: {  	[dreg:$0x4] =	wrdreg s17  }
0xb7: {  	[dreg:$0x5] =	wrdreg $0xE8200  }
0xb8: {  	[dreg:$0x6] =	wrdreg $0xEF480  }
0xb9: {  	[dreg:$0x7] =	wrdreg $0x9  }
0xba: {  	_ =	task.clear_ibuf [dreg:s8], $0x8FFFF;
	_ =	strace $0x90000046  }
0xbb: {  	s29 =	simm.s32 $0x9;
	_ =	strace $0x80000048  }
0xbc: {  	_ =	swait.ge [sflag:s29], $0x1  }
0xbd: {  	[sflag:s29] =	ssyncadd.s32 $0xFFFFFFFF  }
0xbe: {  	_ =	strace $0x90000048  }
0xbf: {  	_ =	sfence  }
0xc0: {  	s30 =	sld [smem:$0x0];
	_ =	sdelay $0x2  }
0xc1: {  	s31 =	sshll.u32 s1, $0xD;
	s1 =	sshrl.u32 s1, $0x2  }
0xc2: {  	s3 =	sand.u32 $0x4000, s31;
	s1 =	sadd.s32 s1, s30  }
0xc3: {  	s0 =	sor.u32 s3, s0;
	s1 =	sshll.u32 s1, $0x11  }
0xc4: {  	s0 =	sor.u32 s1, s0  }
0xc5: {  	s0 =	sadd.s32 $0x8F2B, s0  }
0xc6: {  	[sflag:s0] =	ssyncadd.remote.s32 $0x1  }
0xc7: {  	_ =	sfence.sel $0xFFFF  }
0xc8: {  	[dreg:$0x0] =	wrdreg $0xFFFFFFFF;
	(pc) =	sbr.abs _section_cstart, $3  }
0xc9: {  	[dreg:$0x1] =	wrdreg $0xFFFFFFFF  }
0xca: {  	_ =	task.clear_ibuf [dreg:s8], $0x2FFFF;
	_ =	strace $0x9FFFFFFF  }
0xcb: {  	(tm) =	ssettm $0x7FFFFFFF  }
tec
execute0_lowered:
.L_overlay_start_1:
0x0: {  	(tag) =	ssettag $0x1  }
0x1: {  	s0 =	rddreg [dreg:$0x0]  }
0x2: {  	s4 =	rddreg [dreg:$0x1]  }
0x3: {  	s5 =	rddreg [dreg:$0x2]  }
0x4: {  	s1 =	rddreg [dreg:$0x3]  }
0x5: {  	s2 =	rddreg [dreg:$0x4]  }
0x6: {  	s6 =	srdreg.scid;
	s3 =	simm.s32 $0x0;
	s8 =	stileid.u32  }
0x7: {  	s28 =	simm.s32 $0xB5E0;
	s29 =	simm.s32 $0x49;
	s30 =	simm.s32 $0x350  }
0x8: {  	s31 =	simm.s32 $0xD5E0;
	s9 =	sand.u32 $0x1, s6;
	[smem:$0x7FF] =	sst s3  }
0x9: {  	s16 =	sshll.u32 s8, $0x6;
	s17 =	sadd.s32 $0x1200, s0;
	s12 =	smul.u32 $0x7400, s8  }
0xa: {  	s18 =	sadd.s32 $0x2200, s0;
	s22 =	smul.u32 $0x39200, s8;
	p0 =	sne.s32 s8, $0x0  }
0xb: {  	s8 =	simm.s32 $0x5;
	_ =	strace $0x80000047;
	[dreg:$0x6] =	wrdreg s17  }
0xc: {  	s7 =	sshll.u32 s9, $0x5;
	[dreg:$0x7] =	wrdreg s18;
	s13 =	smul.u32 $0x3A00, s9  }
0xd: {  	s11 =	ssub.s32 $0x2, s9;
	s9 =	smul.u32 $0x1C900, s9;
	s6 =	sor.u32 s7, s16  }
0xe: {  	s7 =	sadd.s32 $0x11A00, s0;
	s19 =	sshrl.u32 s11, $0x1;
	s4 =	sadd.s32 s22, s4  }
0xf: {  	s25 =	sadd.s32 s22, s5;
	s22 =	simm.s32 $0x80;
	s5 =	simm.s32 $0x4  }
0x10: {  	s10 =	smul.u32 $0x3A, s6;
	s6 =	sadd.s32 $0x3200, s0;
	s0 =	ssub.s32 s11, s19  }
0x11: {  	s12 =	sadd.s32 s13, s12;
	s17 =	sadd.s32 s9, s25;
	s25 =	simm.s32 $0x95E0  }
0x12: {  	s23 =	sadd.s32 $0x570, s12;
	s0 =	smax.u32 s0, $0x1;
	s15 =	sadd.s32 $0x3A0, s12  }
0x13: {  	s20 =	sadd.s32 s6, s10;
	s21 =	sor.u32 $0x3A, s10;
	[dreg:$0xc] =	wrdreg s0  }
0x14: {  	s10 =	sadd.s32 s7, s10;
	s0 =	sshrl.u32 @!p0 s1, $0x3;
	[dreg:$0x8] =	wrdreg s20  }
0x15: {  	s14 =	sadd.s32 s6, s21;
	[dreg:$0xa] =	wrdreg s10;
	s11 =	sadd.s32 s7, s21  }
0x16: {  	s10 =	sshrl.u32 s23, $0x3;
	[dreg:$0xf] =	wrdreg s0;
	s0 =	sshrl.u32 @!p0 s2, $0x3  }
0x17: {  	s20 =	simm.s32 $0x1D0;
	s21 =	simm.s32 $0x1;
	[dreg:$0x9] =	wrdreg s14  }
.Ltmp0:
0x18: {  	s23 =	simm.s32 $0x75E0;
	[dreg:$0xb] =	wrdreg s11;
	(pc) =	sbr.rel .LBB2_1-.Ltmp0, $4  }
0x19: {  	s24 =	sadd.s32 s10, s6;
	s14 =	sadd.s32 s9, s4;
	s26 =	sadd.s32 s10, s7  }
0x1a: {  	[dreg:$0x10] =	wrdreg s0;
	s0 =	simm.s32 $0x3;
	s4 =	simm.s32 $0x3A0  }
0x1b: {  	s9 =	simm.s32 $0x6;
	s10 =	simm.s32 $0x0;
	[dreg:$0xd] =	wrdreg s24  }
0x1c: {  	[dreg:$0xe] =	wrdreg s26;
	s24 =	simm.s32 $0x250;
	s26 =	simm.s32 $0x2D0  }
.LBB2_7:
0x1d: {  	_ =	swait.ge [sflag:s8], $0x7240  }
0x1e: {  	[sflag:s8] =	ssyncset.done $0x0  }
0x1f: {  	[sflag:s8] =	ssyncadd.s32 $0xFFFF8DC0  }
0x20: {  	_ =	swait.ge [sflag:s9], $0x7240  }
0x21: {  	s10 =	sadd.s32 $0x1, s10;
	s11 =	rddreg [dreg:$0xc]  }
0x22: {  	p1 =	sne.s32 s10, s11  }
.Ltmp1:
0x23: {  	_ = 	snop;
	(pc) =	sbr.rel @!p1 .LBB2_8-.Ltmp1, $3  }
0x24: {  	_ =	sdelay $0x1  }
0x25: {  	[sflag:s9] =	ssyncset.done $0x0  }
0x26: {  	[sflag:s9] =	ssyncadd.s32 $0xFFFF8DC0  }
.LBB2_1:
0x27: {  	s12 =	rddreg [dreg:$0x6]  }
0x28: {  	s11 =	simm.s32 @!p0 $0x1C07;
	s13 =	rddreg [dreg:$0xf]  }
0x29: {  	[spmem:s13], [sflag:s11] =	dma.local @!p0 [hbm:s12], $0xE48  }
0x2a: {  	s12 =	simm.s32 @!p0 $0x7  }
0x2b: {  	_ =	swait.ge @!p0 [sflag:s12], $0xE48  }
0x2c: {  	[sflag:s12] =	ssyncset.done @!p0 $0x0;
	s13 =	rddreg [dreg:$0x7]  }
0x2d: {  	s16 =	rddreg [dreg:$0x10];
	[sflag:s12] =	ssyncadd.s32 @!p0 $0xFFFFF1B8  }
0x2e: {  	[spmem:s16], [sflag:s11] =	dma.local @!p0 [hbm:s13], $0xE48  }
0x2f: {  	_ =	swait.ge @!p0 [sflag:s12], $0xE48  }
0x30: {  	[sflag:s12] =	ssyncset.done @!p0 $0x0  }
0x31: {  	[sflag:s12] =	ssyncadd.s32 @!p0 $0xFFFFF1B8  }
0x32: {  	[bflag:$0x0] =	sbarrier.arrive $0xFFFF  }
0x33: {  	s18 =	rddreg [dreg:$0x8]  }
0x34: {  	s19 =	rddreg [dreg:$0x9]  }
0x35: {  	[tilespmem:s3], [sflag:$0x1] =	stream.linear.gather [hbm4b:s18+s3], $0x1D0, $0x38;
	[tilespmem:$0xF670] =	vst v63  }
0x36: {  	s11 =	smov.u32 s15;
	s12 =	simm.s32 $0x0;
	s13 =	rddreg [dreg:$0xd]  }
0x37: {  	[tilespmem:s20], [sflag:$0x2] =	stream.linear.gather [hbm4b:s19+s3], $0x1D0, $0x38;
	[tilespmem:$0xF670] =	vst v63  }
.LBB2_2:
0x38: {  	_ =	swait.ge [sflag:s21], $0x1D0;
	p1 =	seq.s32 s12, $0x0  }
0x39: {  	[sflag:s21] =	ssyncset.done $0x0;
	s18 =	simm.s32 @p1 $0x80  }
0x3a: {  	s16 =	simm.s32 @p1 $0x0;
	s19 =	simm.s32 @p1 $0x3A0;
	[sflag:s21] =	ssyncadd.s32 $0xFFFFFE30  }
0x3b: {  	[tilespmem:s19], [sflag:$0x3] =	stream.indirect.gather @p1 [spmem:s1], $0x40, s16, s18, $0xb8;
	[tilespmem:$0xF670] =	vst v63  }
0x3c: {  	s16 =	simm.s32 @p1 $0x23A0  }
0x3d: {  	[tilespmem:s16], [sflag:$0x3] =	stream.indirect.gather @p1 [spmem:s1], $0x40, s18, s18, $0xb8;
	[tilespmem:$0xF670] =	vst v63  }
0x3e: {  	s19 =	simm.s32 @p1 $0x43A0;
	s16 =	simm.s32 @p1 $0x100  }
0x3f: {  	[tilespmem:s19], [sflag:$0x3] =	stream.indirect.gather @p1 [spmem:s1], $0x40, s16, s18, $0xb8;
	[tilespmem:$0xF670] =	vst v63  }
0x40: {  	s16 =	simm.s32 @p1 $0x49;
	s18 =	simm.s32 @p1 $0x180;
	s19 =	simm.s32 @p1 $0x63A0  }
0x41: {  	[tilespmem:s19], [sflag:$0x3] =	stream.indirect.gather @p1 [spmem:s1], $0x40, s18, s16, $0xb8;
	[tilespmem:$0xF670] =	vst v63  }
0x42: {  	s16 =	simm.s32 @p1 $0x2  }
0x43: {  	_ =	swait.ge @p1 [sflag:s16], $0x1D0  }
0x44: {  	[sflag:s16] =	ssyncset.done @p1 $0x0  }
0x45: {  	[sflag:s16] =	ssyncadd.s32 @p1 $0xFFFFFE30;
	s16 =	simm.s32 @!p1 $0x5  }
0x46: {  	_ =	swait.ge @!p1 [sflag:s16], $0x7240  }
0x47: {  	s18 =	simm.s32 @!p1 $0x0;
	[sflag:s16] =	ssyncset.done @!p1 $0x0  }
0x48: {  	s19 =	simm.s32 @!p1 $0x3A0;
	[sflag:s16] =	ssyncadd.s32 @!p1 $0xFFFF8DC0;
	s16 =	simm.s32 @!p1 $0x80  }
0x49: {  	[tilespmem:s19], [sflag:$0x3] =	stream.indirect.gather @!p1 [spmem:s1], $0x40, s18, s16, $0xb8;
	[tilespmem:$0xF670] =	vst v63  }
0x4a: {  	s18 =	simm.s32 @!p1 $0x23A0  }
0x4b: {  	[tilespmem:s18], [sflag:$0x3] =	stream.indirect.gather @!p1 [spmem:s1], $0x40, s16, s16, $0xb8;
	[tilespmem:$0xF670] =	vst v63  }
0x4c: {  	s19 =	simm.s32 @!p1 $0x43A0;
	s18 =	simm.s32 @!p1 $0x100  }
0x4d: {  	[tilespmem:s19], [sflag:$0x3] =	stream.indirect.gather @!p1 [spmem:s1], $0x40, s18, s16, $0xb8;
	[tilespmem:$0xF670] =	vst v63  }
0x4e: {  	s16 =	simm.s32 @!p1 $0x49;
	s18 =	simm.s32 @!p1 $0x180;
	s19 =	simm.s32 @!p1 $0x63A0  }
0x4f: {  	[tilespmem:s19], [sflag:$0x3] =	stream.indirect.gather @!p1 [spmem:s1], $0x40, s18, s16, $0xb8;
	[tilespmem:$0xF670] =	vst v63  }
0x50: {  	s16 =	simm.s32 @!p1 $0x2  }
0x51: {  	_ =	swait.ge @!p1 [sflag:s16], $0x1D0  }
0x52: {  	[sflag:s16] =	ssyncset.done @!p1 $0x0  }
0x53: {  	[sflag:s16] =	ssyncadd.s32 @!p1 $0xFFFFFE30;
	s16 =	simm.s32 @!p1 $0x6  }
0x54: {  	_ =	swait.ge @!p1 [sflag:s16], $0x7240  }
0x55: {  	[sflag:s16] =	ssyncset.done @!p1 $0x0  }
0x56: {  	[sflag:s16] =	ssyncadd.s32 @!p1 $0xFFFF8DC0  }
0x57: {  	[tilespmem:s23], [sflag:$0x4] =	stream.indirect.gather [spmem:s1], $0x40, s20, s22, $0xb8;
	[tilespmem:$0xF670] =	vst v63  }
0x58: {  	_ = 	snop  }
0x59: {  	[tilespmem:s25], [sflag:$0x4] =	stream.indirect.gather [spmem:s1], $0x40, s24, s22, $0xb8;
	[tilespmem:$0xF670] =	vst v63  }
0x5a: {  	_ = 	snop  }
0x5b: {  	[tilespmem:s28], [sflag:$0x4] =	stream.indirect.gather [spmem:s1], $0x40, s26, s22, $0xb8;
	[tilespmem:$0xF670] =	vst v63  }
0x5c: {  	_ = 	snop  }
0x5d: {  	[tilespmem:s31], [sflag:$0x4] =	stream.indirect.gather [spmem:s1], $0x40, s30, s29, $0xb8;
	[tilespmem:$0xF670] =	vst v63  }
0x5e: {  	_ =	swait.ge [sflag:s0], $0x2000  }
0x5f: {  	[sflag:s0] =	ssyncset.done $0x0  }
0x60: {  	[sflag:s0] =	ssyncadd.s32 $0xFFFFE000  }
0x61: {  	_ =	swait.ge [sflag:s0], $0x2000  }
0x62: {  	[sflag:s0] =	ssyncset.done $0x0  }
0x63: {  	[sflag:s0] =	ssyncadd.s32 $0xFFFFE000  }
0x64: {  	_ =	swait.ge [sflag:s0], $0x2000  }
0x65: {  	[sflag:s0] =	ssyncset.done $0x0  }
0x66: {  	[sflag:s0] =	ssyncadd.s32 $0xFFFFE000  }
0x67: {  	_ =	swait.ge [sflag:s0], $0x1240  }
0x68: {  	p1 =	seq.s32 s12, $0x1AC70;
	[sflag:s0] =	ssyncset.done $0x0  }
0x69: {  	s16 =	sadd.s32 s12, s14;
	s18 =	sshrl.u32 @!p1 s11, $0x3;
	[sflag:s0] =	ssyncadd.s32 $0xFFFFEDC0  }
0x6a: {  	[hbm4b:s16+s3] =	stream.linear.scatter [tilespmem:s4], [sflag:$0x5], $0x7240, $0x38;
	[tilespmem:$0xF670] =	vst v63  }
0x6b: {  	s19 =	simm.s32 @!p1 $0x0;
	s18 =	sadd.s32 @!p1 s6, s18  }
0x6c: {  	[tilespmem:s19], [sflag:$0x1] =	stream.linear.gather @!p1 [hbm4b:s18+s19], $0x1D0, $0x38;
	[tilespmem:$0xF670] =	vst v63  }
0x6d: {  	_ =	swait.ge [sflag:s5], $0x2000  }
0x6e: {  	[sflag:s5] =	ssyncset.done $0x0  }
0x6f: {  	[sflag:s5] =	ssyncadd.s32 $0xFFFFE000  }
0x70: {  	_ =	swait.ge [sflag:s5], $0x2000  }
0x71: {  	[sflag:s5] =	ssyncset.done $0x0  }
0x72: {  	[sflag:s5] =	ssyncadd.s32 $0xFFFFE000  }
0x73: {  	_ =	swait.ge [sflag:s5], $0x2000  }
0x74: {  	[sflag:s5] =	ssyncset.done $0x0  }
.Ltmp2:
0x75: {  	[sflag:s5] =	ssyncadd.s32 $0xFFFFE000;
	(pc) =	sbr.rel @p1 .LBB2_4-.Ltmp2, $4  }
0x76: {  	_ =	swait.ge [sflag:s5], $0x1240  }
0x77: {  	[sflag:s5] =	ssyncset.done $0x0  }
0x78: {  	s16 =	sadd.s32 $0xE48, s16;
	[sflag:s5] =	ssyncadd.s32 $0xFFFFEDC0  }
0x79: {  	[hbm4b:s16+s3] =	stream.linear.scatter [tilespmem:s23], [sflag:$0x6], $0x7240, $0x38;
	[tilespmem:$0xF670] =	vst v63  }
.Ltmp3:
0x7a: {  	(pc) =	sbr.rel .LBB2_2-.Ltmp3, $3  }
0x7b: {  	_ =	sdelay $0x1  }
0x7c: {  	[tilespmem:s20], [sflag:$0x2] =	stream.linear.gather [hbm4b:s13+s3], $0x1D0, $0x38;
	[tilespmem:$0xF670] =	vst v63  }
0x7d: {  	s13 =	sadd.s32 $0x74, s13;
	s12 =	sadd.s32 $0x1C90, s12;
	s11 =	sadd.s32 $0x3A0, s11  }
.LBB2_4:
0x7e: {  	_ =	swait.ge [sflag:s8], $0x7240  }
0x7f: {  	[sflag:s8] =	ssyncset.done $0x0  }
0x80: {  	[sflag:s8] =	ssyncadd.s32 $0xFFFF8DC0  }
0x81: {  	_ =	swait.ge [sflag:s9], $0x7240  }
0x82: {  	[sflag:s9] =	ssyncset.done $0x0;
	s12 =	rddreg [dreg:$0xa]  }
0x83: {  	s11 =	simm.s32 $0x0;
	s19 =	rddreg [dreg:$0xb];
	[sflag:s9] =	ssyncadd.s32 $0xFFFF8DC0  }
0x84: {  	[tilespmem:s11], [sflag:$0x1] =	stream.linear.gather [hbm4b:s12+s11], $0x1D0, $0x38;
	[tilespmem:$0xF670] =	vst v63  }
0x85: {  	s13 =	rddreg [dreg:$0xe];
	s12 =	smov.u32 s15  }
0x86: {  	[tilespmem:s20], [sflag:$0x2] =	stream.linear.gather [hbm4b:s19+s11], $0x1D0, $0x38;
	[tilespmem:$0xF670] =	vst v63  }
.LBB2_5:
0x87: {  	_ =	swait.ge [sflag:s21], $0x1D0;
	p1 =	seq.s32 s11, $0x0  }
0x88: {  	[sflag:s21] =	ssyncset.done $0x0;
	s16 =	simm.s32 @p1 $0x80  }
0x89: {  	s18 =	simm.s32 @p1 $0x0;
	s19 =	simm.s32 @p1 $0x3A0;
	[sflag:s21] =	ssyncadd.s32 $0xFFFFFE30  }
0x8a: {  	[tilespmem:s19], [sflag:$0x3] =	stream.indirect.gather @p1 [spmem:s2], $0x40, s18, s16, $0xb8;
	[tilespmem:$0xF670] =	vst v63  }
0x8b: {  	s18 =	simm.s32 @p1 $0x23A0  }
0x8c: {  	[tilespmem:s18], [sflag:$0x3] =	stream.indirect.gather @p1 [spmem:s2], $0x40, s16, s16, $0xb8;
	[tilespmem:$0xF670] =	vst v63  }
0x8d: {  	s19 =	simm.s32 @p1 $0x43A0;
	s18 =	simm.s32 @p1 $0x100  }
0x8e: {  	[tilespmem:s19], [sflag:$0x3] =	stream.indirect.gather @p1 [spmem:s2], $0x40, s18, s16, $0xb8;
	[tilespmem:$0xF670] =	vst v63  }
0x8f: {  	s16 =	simm.s32 @p1 $0x49;
	s18 =	simm.s32 @p1 $0x180;
	s19 =	simm.s32 @p1 $0x63A0  }
0x90: {  	[tilespmem:s19], [sflag:$0x3] =	stream.indirect.gather @p1 [spmem:s2], $0x40, s18, s16, $0xb8;
	[tilespmem:$0xF670] =	vst v63  }
0x91: {  	s16 =	simm.s32 @p1 $0x2  }
0x92: {  	_ =	swait.ge @p1 [sflag:s16], $0x1D0  }
0x93: {  	[sflag:s16] =	ssyncset.done @p1 $0x0  }
0x94: {  	[sflag:s16] =	ssyncadd.s32 @p1 $0xFFFFFE30;
	s16 =	simm.s32 @!p1 $0x5  }
0x95: {  	_ =	swait.ge @!p1 [sflag:s16], $0x7240  }
0x96: {  	s18 =	simm.s32 @!p1 $0x0;
	[sflag:s16] =	ssyncset.done @!p1 $0x0  }
0x97: {  	s19 =	simm.s32 @!p1 $0x3A0;
	[sflag:s16] =	ssyncadd.s32 @!p1 $0xFFFF8DC0;
	s16 =	simm.s32 @!p1 $0x80  }
0x98: {  	[tilespmem:s19], [sflag:$0x3] =	stream.indirect.gather @!p1 [spmem:s2], $0x40, s18, s16, $0xb8;
	[tilespmem:$0xF670] =	vst v63  }
0x99: {  	s18 =	simm.s32 @!p1 $0x23A0  }
0x9a: {  	[tilespmem:s18], [sflag:$0x3] =	stream.indirect.gather @!p1 [spmem:s2], $0x40, s16, s16, $0xb8;
	[tilespmem:$0xF670] =	vst v63  }
0x9b: {  	s19 =	simm.s32 @!p1 $0x43A0;
	s18 =	simm.s32 @!p1 $0x100  }
0x9c: {  	[tilespmem:s19], [sflag:$0x3] =	stream.indirect.gather @!p1 [spmem:s2], $0x40, s18, s16, $0xb8;
	[tilespmem:$0xF670] =	vst v63  }
0x9d: {  	s16 =	simm.s32 @!p1 $0x49;
	s18 =	simm.s32 @!p1 $0x180;
	s19 =	simm.s32 @!p1 $0x63A0  }
0x9e: {  	[tilespmem:s19], [sflag:$0x3] =	stream.indirect.gather @!p1 [spmem:s2], $0x40, s18, s16, $0xb8;
	[tilespmem:$0xF670] =	vst v63  }
0x9f: {  	s16 =	simm.s32 @!p1 $0x2  }
0xa0: {  	_ =	swait.ge @!p1 [sflag:s16], $0x1D0  }
0xa1: {  	[sflag:s16] =	ssyncset.done @!p1 $0x0  }
0xa2: {  	[sflag:s16] =	ssyncadd.s32 @!p1 $0xFFFFFE30;
	s16 =	simm.s32 @!p1 $0x6  }
0xa3: {  	_ =	swait.ge @!p1 [sflag:s16], $0x7240  }
0xa4: {  	[sflag:s16] =	ssyncset.done @!p1 $0x0  }
0xa5: {  	[sflag:s16] =	ssyncadd.s32 @!p1 $0xFFFF8DC0  }
0xa6: {  	[tilespmem:s23], [sflag:$0x4] =	stream.indirect.gather [spmem:s2], $0x40, s20, s22, $0xb8;
	[tilespmem:$0xF670] =	vst v63  }
0xa7: {  	_ = 	snop  }
0xa8: {  	[tilespmem:s25], [sflag:$0x4] =	stream.indirect.gather [spmem:s2], $0x40, s24, s22, $0xb8;
	[tilespmem:$0xF670] =	vst v63  }
0xa9: {  	_ = 	snop  }
0xaa: {  	[tilespmem:s28], [sflag:$0x4] =	stream.indirect.gather [spmem:s2], $0x40, s26, s22, $0xb8;
	[tilespmem:$0xF670] =	vst v63  }
0xab: {  	_ = 	snop  }
0xac: {  	[tilespmem:s31], [sflag:$0x4] =	stream.indirect.gather [spmem:s2], $0x40, s30, s29, $0xb8;
	[tilespmem:$0xF670] =	vst v63  }
0xad: {  	_ =	swait.ge [sflag:s0], $0x2000  }
0xae: {  	[sflag:s0] =	ssyncset.done $0x0  }
0xaf: {  	[sflag:s0] =	ssyncadd.s32 $0xFFFFE000  }
0xb0: {  	_ =	swait.ge [sflag:s0], $0x2000  }
0xb1: {  	[sflag:s0] =	ssyncset.done $0x0  }
0xb2: {  	[sflag:s0] =	ssyncadd.s32 $0xFFFFE000  }
0xb3: {  	_ =	swait.ge [sflag:s0], $0x2000  }
0xb4: {  	[sflag:s0] =	ssyncset.done $0x0  }
0xb5: {  	[sflag:s0] =	ssyncadd.s32 $0xFFFFE000  }
0xb6: {  	_ =	swait.ge [sflag:s0], $0x1240  }
0xb7: {  	p1 =	seq.s32 s11, $0x1AC70;
	[sflag:s0] =	ssyncset.done $0x0  }
0xb8: {  	s16 =	sadd.s32 s11, s17;
	s18 =	sshrl.u32 @!p1 s12, $0x3;
	[sflag:s0] =	ssyncadd.s32 $0xFFFFEDC0  }
0xb9: {  	[hbm4b:s16+s3] =	stream.linear.scatter [tilespmem:s4], [sflag:$0x5], $0x7240, $0x38;
	[tilespmem:$0xF670] =	vst v63  }
0xba: {  	s19 =	simm.s32 @!p1 $0x0;
	s18 =	sadd.s32 @!p1 s7, s18  }
0xbb: {  	[tilespmem:s19], [sflag:$0x1] =	stream.linear.gather @!p1 [hbm4b:s18+s19], $0x1D0, $0x38;
	[tilespmem:$0xF670] =	vst v63  }
0xbc: {  	_ =	swait.ge [sflag:s5], $0x2000  }
0xbd: {  	[sflag:s5] =	ssyncset.done $0x0  }
0xbe: {  	[sflag:s5] =	ssyncadd.s32 $0xFFFFE000  }
0xbf: {  	_ =	swait.ge [sflag:s5], $0x2000  }
0xc0: {  	[sflag:s5] =	ssyncset.done $0x0  }
0xc1: {  	[sflag:s5] =	ssyncadd.s32 $0xFFFFE000  }
0xc2: {  	_ =	swait.ge [sflag:s5], $0x2000  }
0xc3: {  	[sflag:s5] =	ssyncset.done $0x0  }
.Ltmp4:
0xc4: {  	[sflag:s5] =	ssyncadd.s32 $0xFFFFE000;
	(pc) =	sbr.rel @p1 .LBB2_7-.Ltmp4, $4  }
0xc5: {  	_ =	swait.ge [sflag:s5], $0x1240  }
0xc6: {  	[sflag:s5] =	ssyncset.done $0x0  }
0xc7: {  	s16 =	sadd.s32 $0xE48, s16;
	[sflag:s5] =	ssyncadd.s32 $0xFFFFEDC0  }
0xc8: {  	[hbm4b:s16+s3] =	stream.linear.scatter [tilespmem:s23], [sflag:$0x6], $0x7240, $0x38;
	[tilespmem:$0xF670] =	vst v63  }
.Ltmp5:
0xc9: {  	(pc) =	sbr.rel .LBB2_5-.Ltmp5, $3  }
0xca: {  	_ =	sdelay $0x1  }
0xcb: {  	[tilespmem:s20], [sflag:$0x2] =	stream.linear.gather [hbm4b:s13+s3], $0x1D0, $0x38;
	[tilespmem:$0xF670] =	vst v63  }
0xcc: {  	s13 =	sadd.s32 $0x74, s13;
	s11 =	sadd.s32 $0x1C90, s11;
	s12 =	sadd.s32 $0x3A0, s12  }
.LBB2_8:
0xcd: {  	_ =	sfence.sel $0x180000  }
0xce: {  	[bflag:$0x0] =	sbarrier.arrive $0xFFFF  }
0xcf: {  	_ =	strace $0x90000047  }
0xd0: {  	[bflag:$0x2] =	sbarrier.arrive $0xFFFF  }
0xd1: {  	s0 =	rddreg [dreg:$0x5]  }
0xd2: {  	s0 =	sadd.s32 @!p0 $0x100000, s0  }
0xd3: {  	[sflag:s0] =	ssyncadd.tile.s32 @!p0 $0x1;
	_ =	shalt  }
.Lfunc_end2:
_tile_overlayer_lowered:
.L_overlay_start_2:
0xd4: {  	(tag) =	ssettag $0x2  }
0xd5: {  	s0 =	rddreg [dreg:$0x0];
	s2 =	stileid.u32  }
0xd6: {  	s1 =	rddreg [dreg:$0x1];
	p0 =	sne.s32 s2, $0x0  }
0xd7: {  	s3 =	rddreg [dreg:$0x2];
	[bflag:$0x3] =	sbarrier.arrive $0xFFFF;
	s2 =	simm.s32 @!p0 $0x1C07  }
0xd8: {  	[timem:s3], [sflag:s2] =	dma.local @!p0 [hbm:s0], s1  }
0xd9: {  	s0 =	simm.s32 @!p0 $0x7  }
0xda: {  	_ =	swait.ge @!p0 [sflag:s0], s1  }
0xdb: {  	s1 =	ssub.s32 @!p0 $0x0, s1;
	[sflag:s0] =	ssyncset.done @!p0 $0x0  }
0xdc: {  	[sflag:s0] =	ssyncadd.s32 @!p0 s1  }
0xdd: {  	[bflag:$0x3] =	sbarrier.arrive $0xFFFF  }
0xde: {  	_ =	shalt  }

// kernel: sparse-core-data-format-call.1.cloned.1.call-start
scs
called_computation.1_lowered:
.L_overlay_start_0:
0x0: {  	s2 =	sld [smem:$0x3FD9]  }
0x1: {  	s3 =	sld [smem:$0x3FFE];
	_ =	sdelay $0x1  }
0x2: {  	s1 =	srdreg.scid  }
0x3: {  	s0 =	sand.u32 $0x1, s1  }
0x4: {  	s16 =	sshll.u32 s0, $0xA;
	s2 =	sadd.s32 s3, s2  }
0x5: {  	s2 =	sadd.s32 s2, s16  }
0x6: {  	[smem:$0x3FC4] =	sst s2  }
0x7: {  	_ = 	snop  }
0x8: {  	s2 =	sld [smem:$0x3FD0];
	_ =	sdelay $0x2  }
0x9: {  	s17 =	simm.s32 $0xB;
	s4 =	simm.s32 $0x10  }
0xa: {  	[smem:s4], [sflag:s17] =	dma.local [hbm:s2], $0x1  }
0xb: {  	_ =	swait.eq [sflag:s17], $0x1  }
0xc: {  	[sflag:s17] =	ssyncset.done $0x0  }
0xd: {  	[sflag:s17] =	ssyncadd.s32 $0xFFFFFFFF  }
0xe: {  	s18 =	sld [smem:$0x10];
	(tm) =	ssettm $0x1  }
0xf: {  	s19 =	sld [smem:$0x3FFB];
	_ =	sdelay $0x3  }
0x10: {  	_ =	strace s19  }
0x11: {  	s2 =	sld [smem:$0x3FFC];
	_ =	sdelay $0x3  }
0x12: {  	_ =	strace s2  }
0x13: {  	s2 =	sld [smem:$0x3FFD];
	_ =	sdelay $0x3  }
0x14: {  	_ =	strace s2  }
0x15: {  	_ =	strace $0x8FFFFFFF  }
0x16: {  	s20 =	sld [smem:$0x3FDB];
	_ =	sdelay $0x1  }
0x17: {  	s21 =	simm.s32 $_scs_section_size  }
0x18: {  	s5 =	simm.s32 $_size__tile_overlayer_lowered;
	s6 =	simm.s32 $_tile_overlayer_lowered  }
0x19: {  	s7 =	simm.s32 $0x1BFF;
	s22 =	sshll.u32 s6, $0x1;
	s4 =	sadd.s32 s21, s20  }
0x1a: {  	s23 =	simm.s32 $0x0;
	s5 =	sshll.u32 s5, $0x1;
	s6 =	sadd.s32 s22, s4  }
0x1b: {  	[timem:s23], [sflag:s7] =	dma.local [hbm:s6], s5  }
0x1c: {  	_ =	swait.ge [sflag:s7], s5  }
0x1d: {  	s5 =	ssub.s32 $0x0, s5;
	[sflag:s7] =	ssyncset.done $0x0  }
0x1e: {  	[sflag:s7] =	ssyncadd.s32 s5;
	_ =	sdelay $0x1  }
0x1f: {  	s24 =	simm.s32 $0x1B8B  }
0x20: {  	_ =	swait.ge [sflag:s24], $0x1  }
0x21: {  	[sflag:s24] =	ssyncset.done $0x0  }
0x22: {  	[sflag:s24] =	ssyncadd.s32 $0xFFFFFFFF  }
0x23: {  	s5 =	sld [smem:$0x0]  }
0x24: {  	s6 =	sand.u32 $0xFFFFFFFE, s1  }
0x25: {  	p0 =	sne.s32 s1, s6  }
0x26: {  	s6 =	sshll.u32 @p0 s6, $0xE  }
0x27: {  	s6 =	sadd.s32 @p0 $0x11B8D, s6;
	s7 =	sshll.u32 @p0 s5, $0x11  }
0x28: {  	s6 =	sor.u32 @p0 s7, s6  }
0x29: {  	[sflag:s6] =	ssyncadd.remote.s32 @p0 $0x1;
	_ =	sdelay $0x1  }
0x2a: {  	s6 =	simm.s32 @p0 $0x1B8D  }
0x2b: {  	_ =	swait.eq @p0 [sflag:s6], $0x1  }
0x2c: {  	[sflag:s6] =	ssyncadd.s32 @p0 $0xFFFFFFFF  }
0x2d: {  	s7 =	sshll.u32 @!p0 s1, $0xE  }
0x2e: {  	s7 =	sor.u32 @!p0 $0x4000, s7;
	s6 =	simm.s32 @!p0 $0x1B8D  }
0x2f: {  	s5 =	sshll.u32 @!p0 s5, $0x11;
	s7 =	sadd.s32 @!p0 $0x11B8D, s7;
	_ =	swait.eq @!p0 [sflag:s6], $0x1  }
0x30: {  	s5 =	sor.u32 @!p0 s5, s7;
	[sflag:s6] =	ssyncadd.s32 @!p0 $0xFFFFFFFF  }
0x31: {  	s26 =	simm.s32 $0x1B8E;
	s25 =	sld [smem:$0x3FFE];
	[sflag:s5] =	ssyncadd.remote.s32 @!p0 $0x1  }
0x32: {  	s27 =	simm.s32 $execute0_lowered;
	[smem:$0x3FD2] =	sst s26  }
0x33: {  	s6 =	sshll.u32 s27, $0x1;
	_ =	strace $0x8000004C;
	[dreg:$0x1] =	wrdreg $0xFFFFFFFF  }
0x34: {  	s28 =	simm.s32 $_size_execute0_lowered;
	s4 =	sadd.s32 s4, s6;
	[dreg:$0x0] =	wrdreg $0x0  }
0x35: {  	s6 =	sshll.u32 s28, $0x1;
	[dreg:$0x2] =	wrdreg s4  }
0x36: {  	[dreg:$0x3] =	wrdreg s6  }
0x37: {  	[dreg:$0x4] =	wrdreg $0xC0  }
0x38: {  	_ =	task [dreg:s23], $0x5FFFF  }
0x39: {  	[dreg:$0x1] =	wrdreg $0xFFFFFFFF  }
0x3a: {  	[dreg:$0x0] =	wrdreg $0x60  }
0x3b: {  	[dreg:$0x2] =	wrdreg s25  }
0x3c: {  	[dreg:$0x3] =	wrdreg s18  }
0x3d: {  	[dreg:$0x4] =	wrdreg $0xA  }
0x3e: {  	_ =	task.clear_ibuf [dreg:s23], $0x5FFFF;
	_ =	strace $0x9000004C  }
0x3f: {  	s29 =	simm.s32 $0xA;
	_ =	strace $0x8000004E  }
0x40: {  	_ =	swait.ge [sflag:s29], $0x1  }
0x41: {  	[sflag:s29] =	ssyncadd.s32 $0xFFFFFFFF  }
0x42: {  	_ =	strace $0x9000004E  }
0x43: {  	_ =	sfence  }
0x44: {  	s30 =	sld [smem:$0x0];
	_ =	sdelay $0x2  }
0x45: {  	s31 =	sshll.u32 s1, $0xD;
	s1 =	sshrl.u32 s1, $0x2  }
0x46: {  	s4 =	sand.u32 $0x4000, s31;
	s1 =	sadd.s32 s1, s30  }
0x47: {  	s0 =	sor.u32 s4, s0;
	s1 =	sshll.u32 s1, $0x11  }
0x48: {  	s0 =	sor.u32 s1, s0  }
0x49: {  	s0 =	sadd.s32 $0x8F2B, s0  }
0x4a: {  	[sflag:s0] =	ssyncadd.remote.s32 $0x1  }
0x4b: {  	_ =	sfence.sel $0xFFFF  }
0x4c: {  	[dreg:$0x0] =	wrdreg $0xFFFFFFFF;
	(pc) =	sbr.abs _section_cstart, $3  }
0x4d: {  	[dreg:$0x1] =	wrdreg $0xFFFFFFFF  }
0x4e: {  	_ =	task.clear_ibuf [dreg:s23], $0x2FFFF;
	_ =	strace $0x9FFFFFFF  }
0x4f: {  	(tm) =	ssettm $0x7FFFFFFF  }
tec
execute0_lowered:
.L_overlay_start_1:
0x0: {  	(tag) =	ssettag $0x1  }
0x1: {  	s0 =	stileid.u32  }
0x2: {  	s7 =	rddreg [dreg:$0x0];
	s1 =	srdreg.scid  }
0x3: {  	s2 =	rddreg [dreg:$0x1];
	s31 =	simm.s32 $0x2;
	s13 =	simm.s32 $0x0  }
0x4: {  	s14 =	simm.s32 $0x0;
	s3 =	sshll.u32 s0, $0x7;
	s4 =	sshll.u32 s1, $0x4  }
0x5: {  	s12 =	simm.s32 $0x0;
	s3 =	sand.u32 $0x380, s3;
	s4 =	sand.u32 $0x10, s4  }
0x6: {  	s1 =	rddreg [dreg:$0x2];
	s5 =	ssub.s32 $0x400, s3;
	s4 =	sor.u32 s0, s4  }
0x7: {  	_ =	strace $0x8000004D;
	s6 =	sand.u32 $0x380, s5;
	s4 =	sshrl.u32 s4, $0x3  }
0x8: {  	s8 =	sshrl.u32 s5, $0xA;
	p0 =	sne.s32 s6, $0x0;
	s6 =	simm.s32 $0x1  }
.Ltmp0:
0x9: {  	s9 =	ssub.s32 $0x1CC, s4;
	s6 =	simm.s32 @!p0 $0x0;
	(pc) =	sbr.rel .LBB1_1-.Ltmp0, $4  }
0xa: {  	s5 =	simm.s32 $0x1;
	s30 =	sshrl.u32 s9, $0x2;
	s6 =	sadd.s32 s6, s8  }
0xb: {  	s7 =	sadd.s32 $0x741200, s7;
	[sflag:s5] =	ssyncpa.u1 $0x0;
	s6 =	smul.u32 s30, s6  }
0xc: {  	s11 =	smov.u32 s3;
	s10 =	smov.u32 s4;
	[sflag:s31] =	ssyncpa.u1 $0x0  }
0xd: {  	p0 =	por $0x0, $0x0;
	s9 =	simm.s32 $0x2000;
	s8 =	sadd.s32 $0x1, s6  }
.LBB1_4:
0xe: {  	s17 =	sand.u32 $0x1F80, s14;
	s13 =	sshll.u32 s13, $0xD  }
0xf: {  	[tilespmem:s16+$0x810 ss:$0x81] =	vst.msk $0xffff, v2;
	s18 =	sshrl.u32 s14, $0x3;
	s31 =	sand.u32 $0x7, s14;
	s17 =	sadd.s32 s2, s17  }
0x10: {  	[tilespmem:s16+$0x1020 ss:$0x81] =	vst.msk $0xffff, v0;
	s18 =	sand.u32 $0xF, s18;
	s14 =	sshll.u32 s31, $0x12;
	s13 =	sadd.s32 s13, s17  }
0x11: {  	[tilespmem:s16+$0x0 ss:$0x81] =	vst.msk $0xffff, v1;
	s14 =	sor.u32 $0x400, s14;
	s13 =	sadd.s32 s18, s13  }
0x12: {  	[hbm4b:s13+s14] =	stream.strided.scatter [tilespmem:s15], [sflag:$0x2], $0x2000, s9, s14, $0x20;
	[tilespmem:$0x8080] =	vst v63  }
.LBB1_5:
0x13: {  	s15 =	sadd.s32 $0x4, s10  }
0x14: {  	s13 =	sadd.s32 $0x400, s11;
	s17 =	smov.u32 s11;
	p2 =	sgt.s32 s15, $0x1C8  }
0x15: {  	s17 =	smov.u32 @p2 s13  }
0x16: {  	s15 =	smov.u32 @p2 s4;
	p2 =	sgt.s32 s17, $0x3FF  }
0x17: {  	s17 =	smov.u32 @p2 s3;
	p2 =	sne.s32 s12, s8  }
.Ltmp1:
0x18: {  	p1 =	slt.u32 s12, $0x2;
	(pc) =	sbr.rel @!p2 .LBB1_6-.Ltmp1, $4  }
0x19: {  	s16 =	simm.s32 @!p1 $0x2  }
0x1a: {  	s14 =	smov.u32 s11;
	p0 =	por !p0, !p0;
	_ =	swait.ge @!p1 [sflag:s16], $0x2000  }
0x1b: {  	s13 =	smov.u32 s10;
	[sflag:s16] =	ssyncset.done @!p1 $0x0;
	s10 =	smov.u32 s15  }
0x1c: {  	s12 =	sadd.s32 $0x1, s12;
	[sflag:s16] =	ssyncadd.s32 @!p1 $0xFFFFE000;
	s11 =	smov.u32 s17  }
.LBB1_1:
0x1d: {  	p1 =	sge.u32 s12, s6  }
0x1e: {  	s15 =	sand.u32 @!p1 $0x1FFFFFF, s10  }
0x1f: {  	s16 =	smulhi.u32 @!p1 $0x234F72D, s15;
	_ =	sdelay $0x1  }
0x20: {  	s16 =	sshrl.u32 @!p1 s16, $0x2  }
0x21: {  	s16 =	smul.u32 @!p1 $0x1D0, s16  }
0x22: {  	s17 =	sxor.u32 @!p1 $0xFFFFFFFF, s12;
	s18 =	smul.u32 @!p1 $0x1D00, s11  }
0x23: {  	s31 =	sadd.s32 $0xFFFFFFFF, s12;
	s17 =	sshll.u32 @!p1 s17, $0xD;
	s15 =	ssub.s32 @!p1 s15, s16  }
0x24: {  	s16 =	sand.u32 @!p1 $0x2000, s17;
	s17 =	sadd.s32 @!p1 s7, s18;
	s15 =	sshll.u32 @!p1 s15, $0x4  }
0x25: {  	s18 =	simm.s32 @!p1 $0xE800;
	s15 =	sadd.s32 @!p1 s15, s17;
	s17 =	simm.s32 @!p1 $0x40  }
0x26: {  	[tilespmem:s16], [sflag:$0x1] =	stream.strided.gather @!p1 [hbm4b:s15+s17], $0x2000, s18, s17, $0x38;
	[tilespmem:$0x8080] =	vst v63  }
0x27: {  	p1 =	sge.u32 s31, s6  }
.Ltmp2:
0x28: {  	_ = 	snop;
	(pc) =	sbr.rel @p1 .LBB1_5-.Ltmp2, $1  }
0x29: {  	_ =	sdelay $0x3  }
0x2a: {  	s15 =	simm.s32 $0x1  }
0x2b: {  	_ =	swait.ge [sflag:s5], $0x2000;
	s15 =	simm.s32 @!p0 $0x0  }
0x2c: {  	[sflag:s5] =	ssyncset.done $0x0;
	s16 =	sshll.u32 s15, $0xD  }
0x2d: {  	[sflag:s5] =	ssyncadd.s32 $0xFFFFE000;
	s19 =	sor.u32 $0x20, s16  }
0x2e: {  	s15 =	smul.u32 $0x8100, s15;
	v3 =	vld [tilespmem:s19+$0x10]  }
0x2f: {  	s30 =	sand.u32 $0x1, s12;
	v2 =	vld [tilespmem:s19+$0xFFFFFFF0]  }
0x30: {  	s16 =	smul.u32 $0x8100, s30;
	s15 =	sshrl.u32 s15, $0x2;
	v0 =	vld [tilespmem:s19+$0x0]  }
0x31: {  	v1 =	vld [tilespmem:s19+$0xFFFFFFE0];
	s17 =	sor.u32 $0x4000, s15  }
0x32: {  	s31 =	sshrl.u32 s16, $0x2;
	s16 =	sadd.s32 $0x0, s17  }
0x33: {  	s18 =	simm.s32 $0x4;
	s19 =	sadd.s32 $0x40, s19;
	s15 =	sor.u32 $0x4000, s31;
	[tilespmem:s16+$0x1830 ss:$0x81] =	vst.msk $0xffff, v3  }
.LBB1_3:
0x34: {  	v3 =	vld [tilespmem:s19+$0x10];
	p1 =	sne.s32 s18, $0x1FC;
	[tilespmem:s16+$0x810 ss:$0x81] =	vst.msk $0xffff, v2;
	s20 =	smov.u32 s18;
	s18 =	sadd.s32 $0x4, s18  }
.Ltmp3:
0x35: {  	v2 =	vld [tilespmem:s19+$0xFFFFFFF0];
	[tilespmem:s16+$0x1020 ss:$0x81] =	vst.msk $0xffff, v0;
	(pc) =	sbr.rel @p1 .LBB1_3-.Ltmp3, $4  }
0x36: {  	v0 =	vld [tilespmem:s19+$0x0];
	[tilespmem:s16+$0x0 ss:$0x81] =	vst.msk $0xffff, v1  }
0x37: {  	s16 =	sshra.s32 s20, $0x2;
	v1 =	vld [tilespmem:s19+$0xFFFFFFE0]  }
0x38: {  	s16 =	sadd.s32 s16, s17  }
0x39: {  	s19 =	sadd.s32 $0x40, s19;
	[tilespmem:s16+$0x1830 ss:$0x81] =	vst.msk $0xffff, v3  }
.Ltmp4:
0x3a: {  	_ = 	snop;
	(pc) =	sbr.rel .LBB1_4-.Ltmp4, $1  }
0x3b: {  	_ =	sdelay $0x3  }
.LBB1_6:
0x3c: {  	_ =	sfence.sel $0x180000  }
0x3d: {  	s2 =	simm.s32 $0x1;
	[bflag:$0x0] =	sbarrier.arrive $0xFFFF  }
0x3e: {  	s31 =	simm.s32 $0x2;
	[sflag:s2] =	ssyncpa.u1 $0x1  }
0x3f: {  	[sflag:s31] =	ssyncpa.u1 $0x1  }
0x40: {  	p0 =	sne.s32 s0, $0x0;
	_ =	strace $0x9000004D  }
0x41: {  	s0 =	sadd.s32 @!p0 $0x100000, s1;
	[bflag:$0x2] =	sbarrier.arrive $0xFFFF  }
0x42: {  	[sflag:s0] =	ssyncadd.tile.s32 @!p0 $0x1;
	_ =	shalt  }
.Lfunc_end1:
_tile_overlayer_lowered:
.L_overlay_start_2:
0x43: {  	(tag) =	ssettag $0x2  }
0x44: {  	s0 =	rddreg [dreg:$0x0];
	s2 =	stileid.u32  }
0x45: {  	s1 =	rddreg [dreg:$0x1];
	p0 =	sne.s32 s2, $0x0  }
0x46: {  	s3 =	rddreg [dreg:$0x2];
	[bflag:$0x3] =	sbarrier.arrive $0xFFFF;
	s2 =	simm.s32 @!p0 $0x1C01  }
0x47: {  	[timem:s3], [sflag:s2] =	dma.local @!p0 [hbm:s0], s1  }
0x48: {  	s0 =	simm.s32 @!p0 $0x1  }
0x49: {  	_ =	swait.ge @!p0 [sflag:s0], s1  }
0x4a: {  	s1 =	ssub.s32 @!p0 $0x0, s1;
	[sflag:s0] =	ssyncset.done @!p0 $0x0  }
0x4b: {  	[sflag:s0] =	ssyncadd.s32 @!p0 s1  }
0x4c: {  	[bflag:$0x3] =	sbarrier.arrive $0xFFFF  }
0x4d: {  	_ =	shalt  }

// kernel: sparse-core-data-format-call.cloned.1.call-start
scs
called_computation_lowered:
.L_overlay_start_0:
0x0: {  	s2 =	sld [smem:$0x3FD9]  }
0x1: {  	s3 =	sld [smem:$0x3FFE];
	_ =	sdelay $0x1  }
0x2: {  	s1 =	srdreg.scid  }
0x3: {  	s0 =	sand.u32 $0x1, s1  }
0x4: {  	s15 =	sshll.u32 s0, $0xA;
	s2 =	sadd.s32 s3, s2  }
0x5: {  	s2 =	sadd.s32 s2, s15  }
0x6: {  	[smem:$0x3FC4] =	sst s2  }
0x7: {  	_ = 	snop  }
0x8: {  	s2 =	sld [smem:$0x3FD0];
	_ =	sdelay $0x2  }
0x9: {  	s16 =	simm.s32 $0xB;
	s4 =	simm.s32 $0x10  }
0xa: {  	[smem:s4], [sflag:s16] =	dma.local [hbm:s2], $0x1  }
0xb: {  	_ =	swait.eq [sflag:s16], $0x1  }
0xc: {  	[sflag:s16] =	ssyncset.done $0x0  }
0xd: {  	[sflag:s16] =	ssyncadd.s32 $0xFFFFFFFF  }
0xe: {  	s17 =	sld [smem:$0x11];
	(tm) =	ssettm $0x1  }
0xf: {  	s18 =	sld [smem:$0x3FFB];
	_ =	sdelay $0x3  }
0x10: {  	_ =	strace s18  }
0x11: {  	s3 =	sld [smem:$0x3FFC];
	_ =	sdelay $0x3  }
0x12: {  	_ =	strace s3  }
0x13: {  	s3 =	sld [smem:$0x3FFD];
	_ =	sdelay $0x3  }
0x14: {  	_ =	strace s3  }
0x15: {  	_ =	strace $0x8FFFFFFF  }
0x16: {  	s19 =	sld [smem:$0x3FDB];
	_ =	sdelay $0x1  }
0x17: {  	s20 =	simm.s32 $_scs_section_size  }
0x18: {  	s5 =	simm.s32 $_size__tile_overlayer_lowered;
	s6 =	simm.s32 $_tile_overlayer_lowered  }
0x19: {  	s23 =	simm.s32 $0x1BFF;
	s22 =	sshll.u32 s6, $0x1;
	s3 =	sadd.s32 s20, s19  }
0x1a: {  	s7 =	simm.s32 $0x0;
	s21 =	sshll.u32 s5, $0x1;
	s5 =	sadd.s32 s22, s3  }
0x1b: {  	[timem:s7], [sflag:s23] =	dma.local [hbm:s5], s21  }
0x1c: {  	_ =	swait.ge [sflag:s23], s21  }
0x1d: {  	s4 =	ssub.s32 $0x0, s21;
	[sflag:s23] =	ssyncset.done $0x0  }
0x1e: {  	[sflag:s23] =	ssyncadd.s32 s4;
	_ =	sdelay $0x1  }
0x1f: {  	s24 =	simm.s32 $0x1B8B  }
0x20: {  	_ =	swait.ge [sflag:s24], $0x1  }
0x21: {  	[sflag:s24] =	ssyncset.done $0x0  }
0x22: {  	s26 =	simm.s32 $0x1B8E;
	s25 =	sld [smem:$0x3FFE];
	[sflag:s24] =	ssyncadd.s32 $0xFFFFFFFF  }
0x23: {  	s27 =	simm.s32 $execute0_lowered;
	[smem:$0x3FD2] =	sst s26  }
0x24: {  	s5 =	sshll.u32 s27, $0x1;
	_ =	strace $0x80000049;
	[dreg:$0x1] =	wrdreg $0xFFFFFFFF  }
0x25: {  	s28 =	simm.s32 $_size_execute0_lowered;
	s3 =	sadd.s32 s3, s5;
	[dreg:$0x0] =	wrdreg $0x0  }
0x26: {  	s5 =	sshll.u32 s28, $0x1;
	[dreg:$0x2] =	wrdreg s3  }
0x27: {  	[dreg:$0x3] =	wrdreg s5  }
0x28: {  	[dreg:$0x4] =	wrdreg $0xC0  }
0x29: {  	_ =	task [dreg:s7], $0x5FFFF  }
0x2a: {  	[dreg:$0x1] =	wrdreg $0xFFFFFFFF  }
0x2b: {  	[dreg:$0x0] =	wrdreg $0x60  }
0x2c: {  	[dreg:$0x2] =	wrdreg s25  }
0x2d: {  	[dreg:$0x3] =	wrdreg s17  }
0x2e: {  	[dreg:$0x4] =	wrdreg $0x9  }
0x2f: {  	_ =	task.clear_ibuf [dreg:s7], $0x5FFFF;
	_ =	strace $0x90000049  }
0x30: {  	s29 =	simm.s32 $0x9;
	_ =	strace $0x8000004B  }
0x31: {  	_ =	swait.ge [sflag:s29], $0x1  }
0x32: {  	[sflag:s29] =	ssyncadd.s32 $0xFFFFFFFF  }
0x33: {  	_ =	strace $0x9000004B  }
0x34: {  	_ =	sfence  }
0x35: {  	s30 =	sld [smem:$0x0];
	_ =	sdelay $0x2  }
0x36: {  	s31 =	sshll.u32 s1, $0xD;
	s1 =	sshrl.u32 s1, $0x2  }
0x37: {  	s3 =	sand.u32 $0x4000, s31;
	s1 =	sadd.s32 s1, s30  }
0x38: {  	s0 =	sor.u32 s3, s0;
	s1 =	sshll.u32 s1, $0x11  }
0x39: {  	s0 =	sor.u32 s1, s0  }
0x3a: {  	s0 =	sadd.s32 $0x8F2B, s0  }
0x3b: {  	[sflag:s0] =	ssyncadd.remote.s32 $0x1  }
0x3c: {  	_ =	sfence.sel $0xFFFF  }
0x3d: {  	[dreg:$0x0] =	wrdreg $0xFFFFFFFF;
	(pc) =	sbr.abs _section_cstart, $3  }
0x3e: {  	[dreg:$0x1] =	wrdreg $0xFFFFFFFF  }
0x3f: {  	_ =	task.clear_ibuf [dreg:s7], $0x2FFFF;
	_ =	strace $0x9FFFFFFF  }
0x40: {  	(tm) =	ssettm $0x7FFFFFFF  }
0x41: {  	_ =	shalt  }
tec
execute0_lowered:
.L_overlay_start_1:
0x0: {  	(tag) =	ssettag $0x1  }
0x1: {  	s0 =	stileid.u32  }
0x2: {  	s7 =	rddreg [dreg:$0x0];
	s1 =	srdreg.scid  }
0x3: {  	s2 =	rddreg [dreg:$0x1];
	s31 =	simm.s32 $0x2;
	s13 =	simm.s32 $0x0  }
0x4: {  	s14 =	simm.s32 $0x0;
	s3 =	sshll.u32 s0, $0x7;
	s4 =	sshll.u32 s1, $0x4  }
0x5: {  	s12 =	simm.s32 $0x0;
	s3 =	sand.u32 $0x380, s3;
	s4 =	sand.u32 $0x10, s4  }
0x6: {  	s1 =	rddreg [dreg:$0x2];
	s5 =	ssub.s32 $0x400, s3;
	s4 =	sor.u32 s0, s4  }
0x7: {  	_ =	strace $0x8000004A;
	s6 =	sand.u32 $0x380, s5;
	s4 =	sshrl.u32 s4, $0x3  }
0x8: {  	s8 =	sshrl.u32 s5, $0xA;
	p0 =	sne.s32 s6, $0x0;
	s6 =	simm.s32 $0x1  }
.Ltmp0:
0x9: {  	s9 =	ssub.s32 $0x1CC, s4;
	s6 =	simm.s32 @!p0 $0x0;
	(pc) =	sbr.rel .LBB1_1-.Ltmp0, $4  }
0xa: {  	s5 =	simm.s32 $0x1;
	s30 =	sshrl.u32 s9, $0x2;
	s6 =	sadd.s32 s6, s8  }
0xb: {  	s7 =	sadd.s32 $0x1200, s7;
	[sflag:s5] =	ssyncpa.u1 $0x0;
	s6 =	smul.u32 s30, s6  }
0xc: {  	s11 =	smov.u32 s3;
	s10 =	smov.u32 s4;
	[sflag:s31] =	ssyncpa.u1 $0x0  }
0xd: {  	p0 =	por $0x0, $0x0;
	s9 =	simm.s32 $0x2000;
	s8 =	sadd.s32 $0x1, s6  }
.LBB1_4:
0xe: {  	s17 =	sand.u32 $0x1F80, s14;
	s13 =	sshll.u32 s13, $0xD  }
0xf: {  	[tilespmem:s16+$0x810 ss:$0x81] =	vst.msk $0xffff, v2;
	s18 =	sshrl.u32 s14, $0x3;
	s31 =	sand.u32 $0x7, s14;
	s17 =	sadd.s32 s2, s17  }
0x10: {  	[tilespmem:s16+$0x1020 ss:$0x81] =	vst.msk $0xffff, v0;
	s18 =	sand.u32 $0xF, s18;
	s14 =	sshll.u32 s31, $0x12;
	s13 =	sadd.s32 s13, s17  }
0x11: {  	[tilespmem:s16+$0x0 ss:$0x81] =	vst.msk $0xffff, v1;
	s14 =	sor.u32 $0x400, s14;
	s13 =	sadd.s32 s18, s13  }
0x12: {  	[hbm4b:s13+s14] =	stream.strided.scatter [tilespmem:s15], [sflag:$0x2], $0x2000, s9, s14, $0x20;
	[tilespmem:$0x8080] =	vst v63  }
.LBB1_5:
0x13: {  	s15 =	sadd.s32 $0x4, s10  }
0x14: {  	s13 =	sadd.s32 $0x400, s11;
	s17 =	smov.u32 s11;
	p2 =	sgt.s32 s15, $0x1C8  }
0x15: {  	s17 =	smov.u32 @p2 s13  }
0x16: {  	s15 =	smov.u32 @p2 s4;
	p2 =	sgt.s32 s17, $0x3FF  }
0x17: {  	s17 =	smov.u32 @p2 s3;
	p2 =	sne.s32 s12, s8  }
.Ltmp1:
0x18: {  	p1 =	slt.u32 s12, $0x2;
	(pc) =	sbr.rel @!p2 .LBB1_6-.Ltmp1, $4  }
0x19: {  	s16 =	simm.s32 @!p1 $0x2  }
0x1a: {  	s14 =	smov.u32 s11;
	p0 =	por !p0, !p0;
	_ =	swait.ge @!p1 [sflag:s16], $0x2000  }
0x1b: {  	s13 =	smov.u32 s10;
	[sflag:s16] =	ssyncset.done @!p1 $0x0;
	s10 =	smov.u32 s15  }
0x1c: {  	s12 =	sadd.s32 $0x1, s12;
	[sflag:s16] =	ssyncadd.s32 @!p1 $0xFFFFE000;
	s11 =	smov.u32 s17  }
.LBB1_1:
0x1d: {  	p1 =	sge.u32 s12, s6  }
0x1e: {  	s15 =	sand.u32 @!p1 $0x1FFFFFF, s10  }
0x1f: {  	s16 =	smulhi.u32 @!p1 $0x234F72D, s15;
	_ =	sdelay $0x1  }
0x20: {  	s16 =	sshrl.u32 @!p1 s16, $0x2  }
0x21: {  	s16 =	smul.u32 @!p1 $0x1D0, s16  }
0x22: {  	s17 =	sxor.u32 @!p1 $0xFFFFFFFF, s12;
	s18 =	smul.u32 @!p1 $0x1D00, s11  }
0x23: {  	s31 =	sadd.s32 $0xFFFFFFFF, s12;
	s17 =	sshll.u32 @!p1 s17, $0xD;
	s15 =	ssub.s32 @!p1 s15, s16  }
0x24: {  	s16 =	sand.u32 @!p1 $0x2000, s17;
	s17 =	sadd.s32 @!p1 s7, s18;
	s15 =	sshll.u32 @!p1 s15, $0x4  }
0x25: {  	s18 =	simm.s32 @!p1 $0xE800;
	s15 =	sadd.s32 @!p1 s15, s17;
	s17 =	simm.s32 @!p1 $0x40  }
0x26: {  	[tilespmem:s16], [sflag:$0x1] =	stream.strided.gather @!p1 [hbm4b:s15+s17], $0x2000, s18, s17, $0x38;
	[tilespmem:$0x8080] =	vst v63  }
0x27: {  	p1 =	sge.u32 s31, s6  }
.Ltmp2:
0x28: {  	_ = 	snop;
	(pc) =	sbr.rel @p1 .LBB1_5-.Ltmp2, $1  }
0x29: {  	_ =	sdelay $0x3  }
0x2a: {  	s15 =	simm.s32 $0x1  }
0x2b: {  	_ =	swait.ge [sflag:s5], $0x2000;
	s15 =	simm.s32 @!p0 $0x0  }
0x2c: {  	[sflag:s5] =	ssyncset.done $0x0;
	s16 =	sshll.u32 s15, $0xD  }
0x2d: {  	[sflag:s5] =	ssyncadd.s32 $0xFFFFE000;
	s19 =	sor.u32 $0x20, s16  }
0x2e: {  	s15 =	smul.u32 $0x8100, s15;
	v3 =	vld [tilespmem:s19+$0x10]  }
0x2f: {  	s30 =	sand.u32 $0x1, s12;
	v2 =	vld [tilespmem:s19+$0xFFFFFFF0]  }
0x30: {  	s16 =	smul.u32 $0x8100, s30;
	s15 =	sshrl.u32 s15, $0x2;
	v0 =	vld [tilespmem:s19+$0x0]  }
0x31: {  	v1 =	vld [tilespmem:s19+$0xFFFFFFE0];
	s17 =	sor.u32 $0x4000, s15  }
0x32: {  	s31 =	sshrl.u32 s16, $0x2;
	s16 =	sadd.s32 $0x0, s17  }
0x33: {  	s18 =	simm.s32 $0x4;
	s19 =	sadd.s32 $0x40, s19;
	s15 =	sor.u32 $0x4000, s31;
	[tilespmem:s16+$0x1830 ss:$0x81] =	vst.msk $0xffff, v3  }
.LBB1_3:
0x34: {  	v3 =	vld [tilespmem:s19+$0x10];
	p1 =	sne.s32 s18, $0x1FC;
	[tilespmem:s16+$0x810 ss:$0x81] =	vst.msk $0xffff, v2;
	s20 =	smov.u32 s18;
	s18 =	sadd.s32 $0x4, s18  }
.Ltmp3:
0x35: {  	v2 =	vld [tilespmem:s19+$0xFFFFFFF0];
	[tilespmem:s16+$0x1020 ss:$0x81] =	vst.msk $0xffff, v0;
	(pc) =	sbr.rel @p1 .LBB1_3-.Ltmp3, $4  }
0x36: {  	v0 =	vld [tilespmem:s19+$0x0];
	[tilespmem:s16+$0x0 ss:$0x81] =	vst.msk $0xffff, v1  }
0x37: {  	s16 =	sshra.s32 s20, $0x2;
	v1 =	vld [tilespmem:s19+$0xFFFFFFE0]  }
0x38: {  	s16 =	sadd.s32 s16, s17  }
0x39: {  	s19 =	sadd.s32 $0x40, s19;
	[tilespmem:s16+$0x1830 ss:$0x81] =	vst.msk $0xffff, v3  }
.Ltmp4:
0x3a: {  	_ = 	snop;
	(pc) =	sbr.rel .LBB1_4-.Ltmp4, $1  }
0x3b: {  	_ =	sdelay $0x3  }
.LBB1_6:
0x3c: {  	_ =	sfence.sel $0x180000  }
0x3d: {  	s2 =	simm.s32 $0x1;
	[bflag:$0x0] =	sbarrier.arrive $0xFFFF  }
0x3e: {  	s31 =	simm.s32 $0x2;
	[sflag:s2] =	ssyncpa.u1 $0x1  }
0x3f: {  	[sflag:s31] =	ssyncpa.u1 $0x1  }
0x40: {  	p0 =	sne.s32 s0, $0x0;
	_ =	strace $0x9000004A  }
0x41: {  	s0 =	sadd.s32 @!p0 $0x100000, s1;
	[bflag:$0x2] =	sbarrier.arrive $0xFFFF  }
0x42: {  	[sflag:s0] =	ssyncadd.tile.s32 @!p0 $0x1;
	_ =	shalt  }
.Lfunc_end1:
_tile_overlayer_lowered:
.L_overlay_start_2:
0x43: {  	(tag) =	ssettag $0x2  }
0x44: {  	s0 =	rddreg [dreg:$0x0];
	s2 =	stileid.u32  }
0x45: {  	s1 =	rddreg [dreg:$0x1];
	p0 =	sne.s32 s2, $0x0  }
0x46: {  	s3 =	rddreg [dreg:$0x2];
	[bflag:$0x3] =	sbarrier.arrive $0xFFFF;
	s2 =	simm.s32 @!p0 $0x1C01  }
0x47: {  	[timem:s3], [sflag:s2] =	dma.local @!p0 [hbm:s0], s1  }
0x48: {  	s0 =	simm.s32 @!p0 $0x1  }
0x49: {  	_ =	swait.ge @!p0 [sflag:s0], s1  }
0x4a: {  	s1 =	ssub.s32 @!p0 $0x0, s1;
	[sflag:s0] =	ssyncset.done @!p0 $0x0  }
0x4b: {  	[sflag:s0] =	ssyncadd.s32 @!p0 s1  }
0x4c: {  	[bflag:$0x3] =	sbarrier.arrive $0xFFFF  }
0x4d: {  	_ =	shalt  }

</sc_bundles>
